<compile_context>
chip_gen: v7x
topology: tpu7x:2x2x1
jax: 0.10.2.dev20260603
libtpu: 0.0.44.dev20260713+nightly
codegen_flags: <defaults>
</compile_context>

<pallas_src>
import dataclasses
import functools

import jax
import jax.numpy as jnp
from jax import lax
from jax.experimental import pallas as pl
from jax.experimental.pallas import tpu as pltpu
from jax.experimental.pallas import tpu_sc as plsc

N = 100000
E = 1600000
G = 1024
F = 32
NCLS = 32

NSC = 2
NSUB = 16
NW = NSC * NSUB

BN = 2048
NBLK = 49
N_pad = BN * NBLK
CH = N_pad // NW
SUB = CH // 2

H = N_pad // NSC
NDUMP = 128
H2 = H + NDUMP
ZCH = H2 // NSUB

K = 256
EC = 100352
E_pad = EC * NSUB

_mesh = plsc.VectorSubcoreMesh(core_axis_name="core", subcore_axis_name="subcore")

_sc_params = pltpu.CompilerParams(
    needs_layout_passes=False, use_tc_tiling_on_sc=False)


def _embed_body(x0_hbm, x1_hbm, se_hbm, ce_hbm, h0_hbm, x0_v, x1_v, se_v, ce_v, hb_v):
    wid = lax.axis_index("subcore") * NSC + lax.axis_index("core")
    base = wid * CH
    pltpu.sync_copy(x0_hbm.at[pl.ds(base, CH)], x0_v)
    pltpu.sync_copy(x1_hbm.at[pl.ds(base, CH)], x1_v)
    pltpu.sync_copy(se_hbm, se_v)
    pltpu.sync_copy(ce_hbm, ce_v)
    iota = lax.iota(jnp.int32, 16)
    for half in range(2):
        @pl.loop(0, SUB, step=16)
        def _(v):
            row0 = half * SUB + v
            xv0 = x0_v[pl.ds(row0, 16)]
            xv1 = x1_v[pl.ds(row0, 16)]
            rows = v + iota
            for j in range(16):
                cj = jnp.full((16,), j, jnp.int32)
                s_col = plsc.load_gather(se_v, [xv0, cj])
                plsc.store_scatter(hb_v, [rows, cj], s_col)
                c_col = plsc.load_gather(ce_v, [xv1, cj])
                plsc.store_scatter(hb_v, [rows, cj + 16], c_col)
        pltpu.sync_copy(hb_v, h0_hbm.at[pl.ds(base + half * SUB, SUB)])


@jax.jit
def _embed(x0, x1, se, ce):
    kfn = pl.kernel(
        _embed_body,
        out_type=jax.ShapeDtypeStruct((N_pad, F), jnp.float32),
        mesh=_mesh,
        compiler_params=_sc_params,
        scratch_types=[
            pltpu.VMEM((CH,), jnp.int32),
            pltpu.VMEM((CH,), jnp.int32),
            pltpu.VMEM((128, 16), jnp.float32),
            pltpu.VMEM((128, 16), jnp.float32),
            pltpu.VMEM((SUB, F), jnp.float32),
        ],
    )
    return kfn(x0, x1, se, ce)


def _agg_body(with_deg, *args):
    if with_deg:
        (h_hbm, s_hbm, d_hbm, z2_hbm, z1_hbm, agg_hbm, deg_hbm,
         sv0, dv0, sv1, dv1, cs_f, cd_f, st_s, st_d, rows,
         lsem0, lsem1, gsem, ssem, ones_v, acc, accd) = args
    else:
        (h_hbm, s_hbm, d_hbm, z2_hbm, agg_hbm,
         sv0, dv0, sv1, dv1, cs_f, cd_f, st_s, st_d, rows,
         lsem0, lsem1, gsem, ssem, acc) = args
    svs, dvs = (sv0, sv1), (dv0, dv1)
    lsems = (lsem0, lsem1)
    core = lax.axis_index("core")
    sub = lax.axis_index("subcore")
    pltpu.sync_copy(z2_hbm, acc.at[pl.ds(sub * ZCH, ZCH)])
    if with_deg:
        pltpu.sync_copy(z1_hbm, accd.at[pl.ds(sub * ZCH, ZCH)])

        @pl.loop(0, K, step=16)
        def _(q):
            ones_v[pl.ds(q, 16)] = jnp.full((16,), 1.0, jnp.float32)

    plsc.subcore_barrier()
    half_base = core * H
    tile_edge_base = sub * EC
    nw = EC // K
    iota16 = lax.iota(jnp.int32, 16)

    def load(w, p):
        eb = tile_edge_base + w * K
        pltpu.async_copy(s_hbm.at[pl.ds(eb, K)], svs[p], lsems[p])
        pltpu.async_copy(d_hbm.at[pl.ds(eb, K)], dvs[p], lsems[p])

    def wait_load(p):
        pltpu.make_async_copy(s_hbm.at[pl.ds(0, K)], svs[p], lsems[p]).wait()
        pltpu.make_async_copy(d_hbm.at[pl.ds(0, K)], dvs[p], lsems[p]).wait()

    def wait_scatter():
        pltpu.make_async_copy(rows, acc.at[st_d], ssem).wait()
        if with_deg:
            pltpu.make_async_copy(ones_v, accd.at[st_d], ssem).wait()

    def flush(nf):
        @pl.when(nf > 0)
        def _():
            wait_scatter()

        @pl.loop(0, K, step=16)
        def _(q):
            st_s[pl.ds(q, 16)] = cs_f[pl.ds(q, 16)]
            st_d[pl.ds(q, 16)] = cd_f[pl.ds(q, 16)]

        pltpu.async_copy(h_hbm.at[st_s], rows, gsem).wait()
        pltpu.async_copy(rows, acc.at[st_d], ssem, add=True)
        if with_deg:
            pltpu.async_copy(ones_v, accd.at[st_d], ssem, add=True)
        ts = cs_f[pl.ds(K, 16)]
        td = cd_f[pl.ds(K, 16)]
        cs_f[pl.ds(0, 16)] = ts
        cd_f[pl.ds(0, 16)] = td

    load(0, 0)
    load(1, 1)

    def outer(i, carry):
        off, nf = carry
        for p in range(2):
            w = 2 * i + p
            wait_load(p)
            for q in range(0, K, 16):
                s = svs[p][pl.ds(q, 16)]
                dl = dvs[p][pl.ds(q, 16)] - half_base
                mask = (dl >= 0) & (dl < H)
                plsc.store_compressed(cs_f.at[pl.ds(off, 16)], s, mask=mask)
                plsc.store_compressed(cd_f.at[pl.ds(off, 16)], dl, mask=mask)
                cnt = jnp.max(plsc.all_reduce_population_count(mask))
                off = off + cnt

                def _do_flush(c):
                    o, n = c
                    flush(n)
                    return o - K, n + 1

                off, nf = lax.cond(off >= K, _do_flush, lambda c: c, (off, nf))

            @pl.when(w + 2 < nw)
            def _():
                load(w + 2, p)
        return off, nf

    off, nf = lax.fori_loop(0, nw // 2, outer, (jnp.int32(0), jnp.int32(0)))

    @pl.loop(0, K, step=16)
    def _(q):
        lane = q + iota16
        sel = lane >= off
        cs_f[pl.ds(q, 16)] = jnp.where(sel, 0, cs_f[pl.ds(q, 16)])
        cd_f[pl.ds(q, 16)] = jnp.where(sel, H + (lane & (NDUMP - 1)),
                                       cd_f[pl.ds(q, 16)])

    flush(nf)
    wait_scatter()
    plsc.subcore_barrier()
    out_base = core * H + sub * (H // NSUB)
    pltpu.sync_copy(acc.at[pl.ds(sub * (H // NSUB), H // NSUB)],
                    agg_hbm.at[pl.ds(out_base, H // NSUB)])
    if with_deg:
        pltpu.sync_copy(accd.at[pl.ds(sub * (H // NSUB), H // NSUB)],
                        deg_hbm.at[pl.ds(out_base, H // NSUB)])


@jax.jit
def _aggregate_deg(h, srcp, dstp, z2, z1):
    kfn = pl.kernel(
        functools.partial(_agg_body, True),
        out_type=(jax.ShapeDtypeStruct((N_pad, F), jnp.float32),
                  jax.ShapeDtypeStruct((N_pad,), jnp.float32)),
        mesh=_mesh,
        compiler_params=_sc_params,
        scratch_types=[
            pltpu.VMEM((K,), jnp.int32),
            pltpu.VMEM((K,), jnp.int32),
            pltpu.VMEM((K,), jnp.int32),
            pltpu.VMEM((K,), jnp.int32),
            pltpu.VMEM((K + 16,), jnp.int32),
            pltpu.VMEM((K + 16,), jnp.int32),
            pltpu.VMEM((K,), jnp.int32),
            pltpu.VMEM((K,), jnp.int32),
            pltpu.VMEM((K, F), jnp.float32),
            pltpu.SemaphoreType.DMA,
            pltpu.SemaphoreType.DMA,
            pltpu.SemaphoreType.DMA,
            pltpu.SemaphoreType.DMA,
            pltpu.VMEM((K,), jnp.float32),
            pltpu.VMEM_SHARED((H2, F), jnp.float32),
            pltpu.VMEM_SHARED((H2,), jnp.float32),
        ],
    )
    return kfn(h, srcp, dstp, z2, z1)


@jax.jit
def _aggregate(h, srcp, dstp, z2):
    kfn = pl.kernel(
        functools.partial(_agg_body, False),
        out_type=jax.ShapeDtypeStruct((N_pad, F), jnp.float32),
        mesh=_mesh,
        compiler_params=_sc_params,
        scratch_types=[
            pltpu.VMEM((K,), jnp.int32),
            pltpu.VMEM((K,), jnp.int32),
            pltpu.VMEM((K,), jnp.int32),
            pltpu.VMEM((K,), jnp.int32),
            pltpu.VMEM((K + 16,), jnp.int32),
            pltpu.VMEM((K + 16,), jnp.int32),
            pltpu.VMEM((K,), jnp.int32),
            pltpu.VMEM((K,), jnp.int32),
            pltpu.VMEM((K, F), jnp.float32),
            pltpu.SemaphoreType.DMA,
            pltpu.SemaphoreType.DMA,
            pltpu.SemaphoreType.DMA,
            pltpu.SemaphoreType.DMA,
            pltpu.VMEM_SHARED((H2, F), jnp.float32),
        ],
    )
    return kfn(h, srcp, dstp, z2)


def _dense_body(agg_ref, deg_ref, h_ref, wl_ref, b_ref, wr_ref, out_ref):
    mean = agg_ref[...] / jnp.maximum(deg_ref[...], 1.0)[:, None]
    out = (lax.dot_general(mean, wl_ref[...], (((1,), (1,)), ((), ())),
                           preferred_element_type=jnp.float32)
           + lax.dot_general(h_ref[...], wr_ref[...], (((1,), (1,)), ((), ())),
                             preferred_element_type=jnp.float32)
           + b_ref[...])
    out_ref[...] = jnp.maximum(out, 0.0)


@jax.jit
def _dense(agg, deg, h, wl, b, wr):
    return pl.pallas_call(
        _dense_body,
        grid=(NBLK,),
        in_specs=[
            pl.BlockSpec((BN, F), lambda i: (i, 0)),
            pl.BlockSpec((BN,), lambda i: (i,)),
            pl.BlockSpec((BN, F), lambda i: (i, 0)),
            pl.BlockSpec((F, F), lambda i: (0, 0)),
            pl.BlockSpec((1, F), lambda i: (0, 0)),
            pl.BlockSpec((F, F), lambda i: (0, 0)),
        ],
        out_specs=pl.BlockSpec((BN, F), lambda i: (i, 0)),
        out_shape=jax.ShapeDtypeStruct((N_pad, F), jnp.float32),
    )(agg, deg, h, wl, b, wr)


def _pool_body(h_ref, batch_ref, wc_ref, bc_ref, out_ref, acc_s, acc_c):
    i = pl.program_id(0)

    @pl.when(i == 0)
    def _():
        acc_s[...] = jnp.zeros_like(acc_s)
        acc_c[...] = jnp.zeros_like(acc_c)

    ids = batch_ref[...]
    gi = lax.broadcasted_iota(jnp.int32, (G, BN), 0)
    oh = (gi == ids[None, :]).astype(jnp.float32)
    acc_s[...] += lax.dot_general(oh, h_ref[...], (((1,), (0,)), ((), ())),
                                  preferred_element_type=jnp.float32)
    acc_c[...] += jnp.sum(oh, axis=1)

    @pl.when(i == NBLK - 1)
    def _():
        hg = acc_s[...] / jnp.maximum(acc_c[...], 1.0)[:, None]
        out_ref[...] = lax.dot_general(hg, wc_ref[...], (((1,), (1,)), ((), ())),
                                       preferred_element_type=jnp.float32) + bc_ref[...]


@jax.jit
def _pool(h, batch, wc, bc):
    return pl.pallas_call(
        _pool_body,
        grid=(NBLK,),
        in_specs=[
            pl.BlockSpec((BN, F), lambda i: (i, 0)),
            pl.BlockSpec((BN,), lambda i: (i,)),
            pl.BlockSpec((NCLS, F), lambda i: (0, 0)),
            pl.BlockSpec((1, NCLS), lambda i: (0, 0)),
        ],
        out_specs=pl.BlockSpec((G, NCLS), lambda i: (0, 0)),
        out_shape=jax.ShapeDtypeStruct((G, NCLS), jnp.float32),
        scratch_shapes=[
            pltpu.VMEM((G, F), jnp.float32),
            pltpu.VMEM((G,), jnp.float32),
        ],
    )(h, batch, wc, bc)


def kernel(x, edge_index, batch, shape_emb, color_emb, W1l, b1, W1r, W2l, b2, W2r, Wc, bc):
    x = x.astype(jnp.int32)
    x0 = jnp.pad(x[:, 0], (0, N_pad - N))
    x1 = jnp.pad(x[:, 1], (0, N_pad - N))
    src = jnp.pad(edge_index[0], (0, E_pad - E))
    dst = jnp.pad(edge_index[1], (0, E_pad - E), constant_values=-1)
    batch_p = jnp.pad(batch, (0, N_pad - N), constant_values=G)
    z2 = jnp.zeros((ZCH, F), jnp.float32)
    z1 = jnp.zeros((ZCH,), jnp.float32)

    h0 = _embed(x0, x1, shape_emb, color_emb)
    a1, deg = _aggregate_deg(h0, src, dst, z2, z1)
    h1 = _dense(a1, deg, h0, W1l, b1.reshape(1, F), W1r)
    a2 = _aggregate(h1, src, dst, z2)
    h2 = _dense(a2, deg, h1, W2l, b2.reshape(1, F), W2r)
    return _pool(h2, batch_p, Wc, bc.reshape(1, NCLS))

# --- scband reference (transcript-rebuilt; emitter-appended) ---
"""Pipeline reference for scband-sprgraph-net-88648124990053 (READ-ONLY COPY).

The authoritative reference and input builder live on the scoring server;
editing this copy changes nothing except your own understanding.
"""

import jax, jax.numpy as jnp
import numpy as np

N = 100000
E = 1600000
NS = 128
NC = 128
EMB = 16
HID = 32
NCLS = 32
G = 1024


def setup_inputs(seed: int = 0) -> dict:
    key = jax.random.key(seed)
    ks = jax.random.split(key, 13)
    x = jax.random.randint(ks[0], (N, 2), 0, NS, dtype=jnp.int64) if jax.config.jax_enable_x64 else jax.random.randint(ks[0], (N, 2), 0, NS).astype(jnp.int32)
    edge_index = jax.random.randint(ks[1], (2, E), 0, N).astype(jnp.int32)
    batch = jnp.sort(jax.random.randint(ks[2], (N,), 0, G).astype(jnp.int32))
    shape_emb = jax.random.normal(ks[3], (NS, EMB), dtype=jnp.float32) * 0.1
    color_emb = jax.random.normal(ks[4], (NC, EMB), dtype=jnp.float32) * 0.1
    W1l = jax.random.normal(ks[5], (HID, 2 * EMB), dtype=jnp.float32) * (1.0 / np.sqrt(2 * EMB))
    b1 = jnp.zeros((HID,), dtype=jnp.float32)
    W1r = jax.random.normal(ks[6], (HID, 2 * EMB), dtype=jnp.float32) * (1.0 / np.sqrt(2 * EMB))
    W2l = jax.random.normal(ks[7], (HID, HID), dtype=jnp.float32) * (1.0 / np.sqrt(HID))
    b2 = jnp.zeros((HID,), dtype=jnp.float32)
    W2r = jax.random.normal(ks[8], (HID, HID), dtype=jnp.float32) * (1.0 / np.sqrt(HID))
    Wc = jax.random.normal(ks[9], (NCLS, HID), dtype=jnp.float32) * (1.0 / np.sqrt(HID))
    bc = jnp.zeros((NCLS,), dtype=jnp.float32)
    return {"x": x, "edge_index": edge_index, "batch": batch,
            "shape_emb": shape_emb, "color_emb": color_emb,
            "W1l": W1l, "b1": b1, "W1r": W1r,
            "W2l": W2l, "b2": b2, "W2r": W2r,
            "Wc": Wc, "bc": bc}


def reference(x, edge_index, batch, shape_emb, color_emb, W1l, b1, W1r, W2l, b2, W2r, Wc, bc):
    src = edge_index[0]
    dst = edge_index[1]

    def sage(h, Wl, bl, Wr):
        # PyG SAGEConv with mean aggregation: lin_l(mean_{j->i} h_j) + lin_r(h_i)
        msg = jnp.take(h, src, axis=0)
        agg = jax.ops.segment_sum(msg, dst, num_segments=N)
        deg = jax.ops.segment_sum(jnp.ones((E,), h.dtype), dst, num_segments=N)
        mean = agg / jnp.clip(deg, 1.0)[:, None]
        return mean @ Wl.T + bl + h @ Wr.T

    shp = jnp.take(shape_emb, x[:, 0], axis=0)
    col = jnp.take(color_emb, x[:, 1], axis=0)
    h = jnp.concatenate([shp, col], axis=-1)
    h = jax.nn.relu(sage(h, W1l, b1, W1r))
    h = jax.nn.relu(sage(h, W2l, b2, W2r))
    sums = jax.ops.segment_sum(h, batch, num_segments=G)
    cnt = jax.ops.segment_sum(jnp.ones((N,), h.dtype), batch, num_segments=G)
    hg = sums / jnp.clip(cnt, 1.0)[:, None]
    return hg @ Wc.T + bc

if __name__ == "__main__":
    import jax
    _d = setup_inputs()
    print(jax.jit(kernel)(*tuple(_d.values())))

</pallas_src>

<mosaic_0001>
#map = affine_map<(d0, d1) -> (0)>
#map1 = affine_map<(d0, d1) -> (0, 0)>
module attributes {stable_mosaic.version = 14 : i64} {
  func.func @_embed_body(%arg0: i32, %arg1: i32, %arg2: memref<100352xi32, #tpu.memory_space<hbm>>, %arg3: memref<100352xi32, #tpu.memory_space<hbm>>, %arg4: memref<128x16xf32, #tpu.memory_space<hbm>>, %arg5: memref<128x16xf32, #tpu.memory_space<hbm>>, %arg6: memref<100352x32xf32, #tpu.memory_space<hbm>>, %arg7: memref<3136xi32, #tpu.memory_space<vmem>>, %arg8: memref<3136xi32, #tpu.memory_space<vmem>>, %arg9: memref<128x16xf32, #tpu.memory_space<vmem>>, %arg10: memref<128x16xf32, #tpu.memory_space<vmem>>, %arg11: memref<1568x32xf32, #tpu.memory_space<vmem>>) attributes {dimension_semantics = [#tpu.dimension_semantics<core_parallel>, #tpu.dimension_semantics<subcore_parallel>], iteration_bounds = array<i64: 2, 16>, scalar_prefetch = 0 : i64, scratch_operands = 5 : i64, tpu.core_type = #tpu.core_type<sc_vector_subcore>, window_params = [{transform_indices = #map}, {transform_indices = #map}, {transform_indices = #map1}, {transform_indices = #map1}, {transform_indices = #map1}]} {
    %mul3A = arith.constant 2 : i32
    %mul3A_0 = arith.muli %arg1, %mul3A : i32
    %add3A = arith.addi %mul3A_0, %arg0 : i32
    %mul3A_1 = arith.constant 3136 : i32
    %mul3A_2 = arith.muli %add3A, %mul3A_1 : i32
    "tpu.region"() ({
      %run_scoped3A = tpu.sem_alloc : memref<!tpu.dma_semaphore, #tpu.memory_space<semaphore_mem>>
      %dma_start3A = tpu.memref_slice %arg2[%mul3A_2] : memref<100352xi32, #tpu.memory_space<hbm>> -> memref<3136xi32, #tpu.memory_space<hbm>>
      %dma_start3A_16 = tpu.memref_slice %arg2[%mul3A_2] : memref<100352xi32, #tpu.memory_space<hbm>> -> memref<3136xi32, #tpu.memory_space<hbm>>
      tpu.enqueue_dma source(%dma_start3A_16 : memref<3136xi32, #tpu.memory_space<hbm>>) target(%arg7 : memref<3136xi32, #tpu.memory_space<vmem>>) target_semaphore(%run_scoped3A : memref<!tpu.dma_semaphore, #tpu.memory_space<semaphore_mem>>)
      %dma_wait3A = tpu.memref_slice %arg2[%mul3A_2] : memref<100352xi32, #tpu.memory_space<hbm>> -> memref<3136xi32, #tpu.memory_space<hbm>>
      %dma_wait3A_17 = tpu.memref_slice %arg2[%mul3A_2] : memref<100352xi32, #tpu.memory_space<hbm>> -> memref<3136xi32, #tpu.memory_space<hbm>>
      tpu.wait_dma2 semaphore(%run_scoped3A : memref<!tpu.dma_semaphore, #tpu.memory_space<semaphore_mem>>) src(%dma_wait3A_17 : memref<3136xi32, #tpu.memory_space<hbm>>) dst(%arg7 : memref<3136xi32, #tpu.memory_space<vmem>>)
      tpu.yield
    }) : () -> ()
    "tpu.region"() ({
      %run_scoped3A = tpu.sem_alloc : memref<!tpu.dma_semaphore, #tpu.memory_space<semaphore_mem>>
      %dma_start3A = tpu.memref_slice %arg3[%mul3A_2] : memref<100352xi32, #tpu.memory_space<hbm>> -> memref<3136xi32, #tpu.memory_space<hbm>>
      %dma_start3A_16 = tpu.memref_slice %arg3[%mul3A_2] : memref<100352xi32, #tpu.memory_space<hbm>> -> memref<3136xi32, #tpu.memory_space<hbm>>
      tpu.enqueue_dma source(%dma_start3A_16 : memref<3136xi32, #tpu.memory_space<hbm>>) target(%arg8 : memref<3136xi32, #tpu.memory_space<vmem>>) target_semaphore(%run_scoped3A : memref<!tpu.dma_semaphore, #tpu.memory_space<semaphore_mem>>)
      %dma_wait3A = tpu.memref_slice %arg3[%mul3A_2] : memref<100352xi32, #tpu.memory_space<hbm>> -> memref<3136xi32, #tpu.memory_space<hbm>>
      %dma_wait3A_17 = tpu.memref_slice %arg3[%mul3A_2] : memref<100352xi32, #tpu.memory_space<hbm>> -> memref<3136xi32, #tpu.memory_space<hbm>>
      tpu.wait_dma2 semaphore(%run_scoped3A : memref<!tpu.dma_semaphore, #tpu.memory_space<semaphore_mem>>) src(%dma_wait3A_17 : memref<3136xi32, #tpu.memory_space<hbm>>) dst(%arg8 : memref<3136xi32, #tpu.memory_space<vmem>>)
      tpu.yield
    }) : () -> ()
    "tpu.region"() ({
      %run_scoped3A = tpu.sem_alloc : memref<!tpu.dma_semaphore, #tpu.memory_space<semaphore_mem>>
      tpu.enqueue_dma source(%arg4 : memref<128x16xf32, #tpu.memory_space<hbm>>) target(%arg9 : memref<128x16xf32, #tpu.memory_space<vmem>>) target_semaphore(%run_scoped3A : memref<!tpu.dma_semaphore, #tpu.memory_space<semaphore_mem>>)
      tpu.wait_dma2 semaphore(%run_scoped3A : memref<!tpu.dma_semaphore, #tpu.memory_space<semaphore_mem>>) src(%arg4 : memref<128x16xf32, #tpu.memory_space<hbm>>) dst(%arg9 : memref<128x16xf32, #tpu.memory_space<vmem>>)
      tpu.yield
    }) : () -> ()
    "tpu.region"() ({
      %run_scoped3A = tpu.sem_alloc : memref<!tpu.dma_semaphore, #tpu.memory_space<semaphore_mem>>
      tpu.enqueue_dma source(%arg5 : memref<128x16xf32, #tpu.memory_space<hbm>>) target(%arg10 : memref<128x16xf32, #tpu.memory_space<vmem>>) target_semaphore(%run_scoped3A : memref<!tpu.dma_semaphore, #tpu.memory_space<semaphore_mem>>)
      tpu.wait_dma2 semaphore(%run_scoped3A : memref<!tpu.dma_semaphore, #tpu.memory_space<semaphore_mem>>) src(%arg5 : memref<128x16xf32, #tpu.memory_space<hbm>>) dst(%arg10 : memref<128x16xf32, #tpu.memory_space<vmem>>)
      tpu.yield
    }) : () -> ()
    %iota3A = tpu.iota {dimensions = array<i32: 0>} : vector<16xi32>
    %scan3A = arith.constant 0 : i32
    %scan3A_3 = arith.constant 98 : i32
    %scan3A_4 = arith.addi %scan3A, %scan3A_3 : i32
    %scan3A_5 = arith.constant 1 : i32
    scf.for %scan3A_16 = %scan3A to %scan3A_4 step %scan3A_5  : i32 {
      %mul3A_17 = arith.constant 16 : i32
      %mul3A_18 = arith.muli %scan3A_16, %mul3A_17 : i32
      %add3A_19 = arith.constant 0 : i32
      %add3A_20 = arith.addi %add3A_19, %mul3A_18 : i32
      %add3A_21 = arith.constant 0 : i32
      %add3A_22 = arith.addi %add3A_21, %add3A_20 : i32
      %get3A = arith.index_cast %add3A_22 : i32 to index
      %get3A_23 = tpu.vector_load %arg7[%get3A] {strides = array<i32>} : memref<3136xi32, #tpu.memory_space<vmem>>, vector<16xi32>,
      %get3A_24 = arith.index_cast %add3A_22 : i32 to index
      %get3A_25 = tpu.vector_load %arg8[%get3A_24] {strides = array<i32>} : memref<3136xi32, #tpu.memory_space<vmem>>, vector<16xi32>,
      %add3A_26 = vector.broadcast %add3A_20 : i32 to vector<16xi32>
      %add3A_27 = arith.addi %add3A_26, %iota3A : vector<16xi32>
      %broadcast_in_dim3A = arith.constant 0 : i32
      %broadcast_in_dim3A_28 = vector.broadcast %broadcast_in_dim3A : i32 to vector<16xi32>
      %gather3A = tpu.vector_load_idx %arg9[%get3A_23, %broadcast_in_dim3A_28] : memref<128x16xf32, #tpu.memory_space<vmem>>[vector<16xi32>, vector<16xi32>], vector<16xf32>,
      tpu.vector_store_idx %arg11[%add3A_27, %broadcast_in_dim3A_28], %gather3A : memref<1568x32xf32, #tpu.memory_space<vmem>>[vector<16xi32>, vector<16xi32>], vector<16xf32>,
      %gather3A_29 = tpu.vector_load_idx %arg10[%get3A_25, %broadcast_in_dim3A_28] : memref<128x16xf32, #tpu.memory_space<vmem>>[vector<16xi32>, vector<16xi32>], vector<16xf32>,
      %add3A_30 = arith.constant 16 : i32
      %add3A_31 = vector.broadcast %add3A_30 : i32 to vector<16xi32>
      %add3A_32 = arith.addi %broadcast_in_dim3A_28, %add3A_31 : vector<16xi32>
      tpu.vector_store_idx %arg11[%add3A_27, %add3A_32], %gather3A_29 : memref<1568x32xf32, #tpu.memory_space<vmem>>[vector<16xi32>, vector<16xi32>], vector<16xf32>,
      %broadcast_in_dim3A_33 = arith.constant 1 : i32
      %broadcast_in_dim3A_34 = vector.broadcast %broadcast_in_dim3A_33 : i32 to vector<16xi32>
      %gather3A_35 = tpu.vector_load_idx %arg9[%get3A_23, %broadcast_in_dim3A_34] : memref<128x16xf32, #tpu.memory_space<vmem>>[vector<16xi32>, vector<16xi32>], vector<16xf32>,
      tpu.vector_store_idx %arg11[%add3A_27, %broadcast_in_dim3A_34], %gather3A_35 : memref<1568x32xf32, #tpu.memory_space<vmem>>[vector<16xi32>, vector<16xi32>], vector<16xf32>,
      %gather3A_36 = tpu.vector_load_idx %arg10[%get3A_25, %broadcast_in_dim3A_34] : memref<128x16xf32, #tpu.memory_space<vmem>>[vector<16xi32>, vector<16xi32>], vector<16xf32>,
      %add3A_37 = arith.constant 16 : i32
      %add3A_38 = vector.broadcast %add3A_37 : i32 to vector<16xi32>
      %add3A_39 = arith.addi %broadcast_in_dim3A_34, %add3A_38 : vector<16xi32>
      tpu.vector_store_idx %arg11[%add3A_27, %add3A_39], %gather3A_36 : memref<1568x32xf32, #tpu.memory_space<vmem>>[vector<16xi32>, vector<16xi32>], vector<16xf32>,
      %broadcast_in_dim3A_40 = arith.constant 2 : i32
      %broadcast_in_dim3A_41 = vector.broadcast %broadcast_in_dim3A_40 : i32 to vector<16xi32>
      %gather3A_42 = tpu.vector_load_idx %arg9[%get3A_23, %broadcast_in_dim3A_41] : memref<128x16xf32, #tpu.memory_space<vmem>>[vector<16xi32>, vector<16xi32>], vector<16xf32>,
      tpu.vector_store_idx %arg11[%add3A_27, %broadcast_in_dim3A_41], %gather3A_42 : memref<1568x32xf32, #tpu.memory_space<vmem>>[vector<16xi32>, vector<16xi32>], vector<16xf32>,
      %gather3A_43 = tpu.vector_load_idx %arg10[%get3A_25, %broadcast_in_dim3A_41] : memref<128x16xf32, #tpu.memory_space<vmem>>[vector<16xi32>, vector<16xi32>], vector<16xf32>,
      %add3A_44 = arith.constant 16 : i32
      %add3A_45 = vector.broadcast %add3A_44 : i32 to vector<16xi32>
      %add3A_46 = arith.addi %broadcast_in_dim3A_41, %add3A_45 : vector<16xi32>
      tpu.vector_store_idx %arg11[%add3A_27, %add3A_46], %gather3A_43 : memref<1568x32xf32, #tpu.memory_space<vmem>>[vector<16xi32>, vector<16xi32>], vector<16xf32>,
      %broadcast_in_dim3A_47 = arith.constant 3 : i32
      %broadcast_in_dim3A_48 = vector.broadcast %broadcast_in_dim3A_47 : i32 to vector<16xi32>
      %gather3A_49 = tpu.vector_load_idx %arg9[%get3A_23, %broadcast_in_dim3A_48] : memref<128x16xf32, #tpu.memory_space<vmem>>[vector<16xi32>, vector<16xi32>], vector<16xf32>,
      tpu.vector_store_idx %arg11[%add3A_27, %broadcast_in_dim3A_48], %gather3A_49 : memref<1568x32xf32, #tpu.memory_space<vmem>>[vector<16xi32>, vector<16xi32>], vector<16xf32>,
      %gather3A_50 = tpu.vector_load_idx %arg10[%get3A_25, %broadcast_in_dim3A_48] : memref<128x16xf32, #tpu.memory_space<vmem>>[vector<16xi32>, vector<16xi32>], vector<16xf32>,
      %add3A_51 = arith.constant 16 : i32
      %add3A_52 = vector.broadcast %add3A_51 : i32 to vector<16xi32>
      %add3A_53 = arith.addi %broadcast_in_dim3A_48, %add3A_52 : vector<16xi32>
      tpu.vector_store_idx %arg11[%add3A_27, %add3A_53], %gather3A_50 : memref<1568x32xf32, #tpu.memory_space<vmem>>[vector<16xi32>, vector<16xi32>], vector<16xf32>,
      %broadcast_in_dim3A_54 = arith.constant 4 : i32
      %broadcast_in_dim3A_55 = vector.broadcast %broadcast_in_dim3A_54 : i32 to vector<16xi32>
      %gather3A_56 = tpu.vector_load_idx %arg9[%get3A_23, %broadcast_in_dim3A_55] : memref<128x16xf32, #tpu.memory_space<vmem>>[vector<16xi32>, vector<16xi32>], vector<16xf32>,
      tpu.vector_store_idx %arg11[%add3A_27, %broadcast_in_dim3A_55], %gather3A_56 : memref<1568x32xf32, #tpu.memory_space<vmem>>[vector<16xi32>, vector<16xi32>], vector<16xf32>,
      %gather3A_57 = tpu.vector_load_idx %arg10[%get3A_25, %broadcast_in_dim3A_55] : memref<128x16xf32, #tpu.memory_space<vmem>>[vector<16xi32>, vector<16xi32>], vector<16xf32>,
      %add3A_58 = arith.constant 16 : i32
      %add3A_59 = vector.broadcast %add3A_58 : i32 to vector<16xi32>
      %add3A_60 = arith.addi %broadcast_in_dim3A_55, %add3A_59 : vector<16xi32>
      tpu.vector_store_idx %arg11[%add3A_27, %add3A_60], %gather3A_57 : memref<1568x32xf32, #tpu.memory_space<vmem>>[vector<16xi32>, vector<16xi32>], vector<16xf32>,
      %broadcast_in_dim3A_61 = arith.constant 5 : i32
      %broadcast_in_dim3A_62 = vector.broadcast %broadcast_in_dim3A_61 : i32 to vector<16xi32>
      %gather3A_63 = tpu.vector_load_idx %arg9[%get3A_23, %broadcast_in_dim3A_62] : memref<128x16xf32, #tpu.memory_space<vmem>>[vector<16xi32>, vector<16xi32>], vector<16xf32>,
      tpu.vector_store_idx %arg11[%add3A_27, %broadcast_in_dim3A_62], %gather3A_63 : memref<1568x32xf32, #tpu.memory_space<vmem>>[vector<16xi32>, vector<16xi32>], vector<16xf32>,
      %gather3A_64 = tpu.vector_load_idx %arg10[%get3A_25, %broadcast_in_dim3A_62] : memref<128x16xf32, #tpu.memory_space<vmem>>[vector<16xi32>, vector<16xi32>], vector<16xf32>,
      %add3A_65 = arith.constant 16 : i32
      %add3A_66 = vector.broadcast %add3A_65 : i32 to vector<16xi32>
      %add3A_67 = arith.addi %broadcast_in_dim3A_62, %add3A_66 : vector<16xi32>
      tpu.vector_store_idx %arg11[%add3A_27, %add3A_67], %gather3A_64 : memref<1568x32xf32, #tpu.memory_space<vmem>>[vector<16xi32>, vector<16xi32>], vector<16xf32>,
      %broadcast_in_dim3A_68 = arith.constant 6 : i32
      %broadcast_in_dim3A_69 = vector.broadcast %broadcast_in_dim3A_68 : i32 to vector<16xi32>
      %gather3A_70 = tpu.vector_load_idx %arg9[%get3A_23, %broadcast_in_dim3A_69] : memref<128x16xf32, #tpu.memory_space<vmem>>[vector<16xi32>, vector<16xi32>], vector<16xf32>,
      tpu.vector_store_idx %arg11[%add3A_27, %broadcast_in_dim3A_69], %gather3A_70 : memref<1568x32xf32, #tpu.memory_space<vmem>>[vector<16xi32>, vector<16xi32>], vector<16xf32>,
      %gather3A_71 = tpu.vector_load_idx %arg10[%get3A_25, %broadcast_in_dim3A_69] : memref<128x16xf32, #tpu.memory_space<vmem>>[vector<16xi32>, vector<16xi32>], vector<16xf32>,
      %add3A_72 = arith.constant 16 : i32
      %add3A_73 = vector.broadcast %add3A_72 : i32 to vector<16xi32>
      %add3A_74 = arith.addi %broadcast_in_dim3A_69, %add3A_73 : vector<16xi32>
      tpu.vector_store_idx %arg11[%add3A_27, %add3A_74], %gather3A_71 : memref<1568x32xf32, #tpu.memory_space<vmem>>[vector<16xi32>, vector<16xi32>], vector<16xf32>,
      %broadcast_in_dim3A_75 = arith.constant 7 : i32
      %broadcast_in_dim3A_76 = vector.broadcast %broadcast_in_dim3A_75 : i32 to vector<16xi32>
      %gather3A_77 = tpu.vector_load_idx %arg9[%get3A_23, %broadcast_in_dim3A_76] : memref<128x16xf32, #tpu.memory_space<vmem>>[vector<16xi32>, vector<16xi32>], vector<16xf32>,
      tpu.vector_store_idx %arg11[%add3A_27, %broadcast_in_dim3A_76], %gather3A_77 : memref<1568x32xf32, #tpu.memory_space<vmem>>[vector<16xi32>, vector<16xi32>], vector<16xf32>,
      %gather3A_78 = tpu.vector_load_idx %arg10[%get3A_25, %broadcast_in_dim3A_76] : memref<128x16xf32, #tpu.memory_space<vmem>>[vector<16xi32>, vector<16xi32>], vector<16xf32>,
      %add3A_79 = arith.constant 16 : i32
      %add3A_80 = vector.broadcast %add3A_79 : i32 to vector<16xi32>
      %add3A_81 = arith.addi %broadcast_in_dim3A_76, %add3A_80 : vector<16xi32>
      tpu.vector_store_idx %arg11[%add3A_27, %add3A_81], %gather3A_78 : memref<1568x32xf32, #tpu.memory_space<vmem>>[vector<16xi32>, vector<16xi32>], vector<16xf32>,
      %broadcast_in_dim3A_82 = arith.constant 8 : i32
      %broadcast_in_dim3A_83 = vector.broadcast %broadcast_in_dim3A_82 : i32 to vector<16xi32>
      %gather3A_84 = tpu.vector_load_idx %arg9[%get3A_23, %broadcast_in_dim3A_83] : memref<128x16xf32, #tpu.memory_space<vmem>>[vector<16xi32>, vector<16xi32>], vector<16xf32>,
      tpu.vector_store_idx %arg11[%add3A_27, %broadcast_in_dim3A_83], %gather3A_84 : memref<1568x32xf32, #tpu.memory_space<vmem>>[vector<16xi32>, vector<16xi32>], vector<16xf32>,
      %gather3A_85 = tpu.vector_load_idx %arg10[%get3A_25, %broadcast_in_dim3A_83] : memref<128x16xf32, #tpu.memory_space<vmem>>[vector<16xi32>, vector<16xi32>], vector<16xf32>,
      %add3A_86 = arith.constant 16 : i32
      %add3A_87 = vector.broadcast %add3A_86 : i32 to vector<16xi32>
      %add3A_88 = arith.addi %broadcast_in_dim3A_83, %add3A_87 : vector<16xi32>
      tpu.vector_store_idx %arg11[%add3A_27, %add3A_88], %gather3A_85 : memref<1568x32xf32, #tpu.memory_space<vmem>>[vector<16xi32>, vector<16xi32>], vector<16xf32>,
      %broadcast_in_dim3A_89 = arith.constant 9 : i32
      %broadcast_in_dim3A_90 = vector.broadcast %broadcast_in_dim3A_89 : i32 to vector<16xi32>
      %gather3A_91 = tpu.vector_load_idx %arg9[%get3A_23, %broadcast_in_dim3A_90] : memref<128x16xf32, #tpu.memory_space<vmem>>[vector<16xi32>, vector<16xi32>], vector<16xf32>,
      tpu.vector_store_idx %arg11[%add3A_27, %broadcast_in_dim3A_90], %gather3A_91 : memref<1568x32xf32, #tpu.memory_space<vmem>>[vector<16xi32>, vector<16xi32>], vector<16xf32>,
      %gather3A_92 = tpu.vector_load_idx %arg10[%get3A_25, %broadcast_in_dim3A_90] : memref<128x16xf32, #tpu.memory_space<vmem>>[vector<16xi32>, vector<16xi32>], vector<16xf32>,
      %add3A_93 = arith.constant 16 : i32
      %add3A_94 = vector.broadcast %add3A_93 : i32 to vector<16xi32>
      %add3A_95 = arith.addi %broadcast_in_dim3A_90, %add3A_94 : vector<16xi32>
      tpu.vector_store_idx %arg11[%add3A_27, %add3A_95], %gather3A_92 : memref<1568x32xf32, #tpu.memory_space<vmem>>[vector<16xi32>, vector<16xi32>], vector<16xf32>,
      %broadcast_in_dim3A_96 = arith.constant 10 : i32
      %broadcast_in_dim3A_97 = vector.broadcast %broadcast_in_dim3A_96 : i32 to vector<16xi32>
      %gather3A_98 = tpu.vector_load_idx %arg9[%get3A_23, %broadcast_in_dim3A_97] : memref<128x16xf32, #tpu.memory_space<vmem>>[vector<16xi32>, vector<16xi32>], vector<16xf32>,
      tpu.vector_store_idx %arg11[%add3A_27, %broadcast_in_dim3A_97], %gather3A_98 : memref<1568x32xf32, #tpu.memory_space<vmem>>[vector<16xi32>, vector<16xi32>], vector<16xf32>,
      %gather3A_99 = tpu.vector_load_idx %arg10[%get3A_25, %broadcast_in_dim3A_97] : memref<128x16xf32, #tpu.memory_space<vmem>>[vector<16xi32>, vector<16xi32>], vector<16xf32>,
      %add3A_100 = arith.constant 16 : i32
      %add3A_101 = vector.broadcast %add3A_100 : i32 to vector<16xi32>
      %add3A_102 = arith.addi %broadcast_in_dim3A_97, %add3A_101 : vector<16xi32>
      tpu.vector_store_idx %arg11[%add3A_27, %add3A_102], %gather3A_99 : memref<1568x32xf32, #tpu.memory_space<vmem>>[vector<16xi32>, vector<16xi32>], vector<16xf32>,
      %broadcast_in_dim3A_103 = arith.constant 11 : i32
      %broadcast_in_dim3A_104 = vector.broadcast %broadcast_in_dim3A_103 : i32 to vector<16xi32>
      %gather3A_105 = tpu.vector_load_idx %arg9[%get3A_23, %broadcast_in_dim3A_104] : memref<128x16xf32, #tpu.memory_space<vmem>>[vector<16xi32>, vector<16xi32>], vector<16xf32>,
      tpu.vector_store_idx %arg11[%add3A_27, %broadcast_in_dim3A_104], %gather3A_105 : memref<1568x32xf32, #tpu.memory_space<vmem>>[vector<16xi32>, vector<16xi32>], vector<16xf32>,
      %gather3A_106 = tpu.vector_load_idx %arg10[%get3A_25, %broadcast_in_dim3A_104] : memref<128x16xf32, #tpu.memory_space<vmem>>[vector<16xi32>, vector<16xi32>], vector<16xf32>,
      %add3A_107 = arith.constant 16 : i32
      %add3A_108 = vector.broadcast %add3A_107 : i32 to vector<16xi32>
      %add3A_109 = arith.addi %broadcast_in_dim3A_104, %add3A_108 : vector<16xi32>
      tpu.vector_store_idx %arg11[%add3A_27, %add3A_109], %gather3A_106 : memref<1568x32xf32, #tpu.memory_space<vmem>>[vector<16xi32>, vector<16xi32>], vector<16xf32>,
      %broadcast_in_dim3A_110 = arith.constant 12 : i32
      %broadcast_in_dim3A_111 = vector.broadcast %broadcast_in_dim3A_110 : i32 to vector<16xi32>
      %gather3A_112 = tpu.vector_load_idx %arg9[%get3A_23, %broadcast_in_dim3A_111] : memref<128x16xf32, #tpu.memory_space<vmem>>[vector<16xi32>, vector<16xi32>], vector<16xf32>,
      tpu.vector_store_idx %arg11[%add3A_27, %broadcast_in_dim3A_111], %gather3A_112 : memref<1568x32xf32, #tpu.memory_space<vmem>>[vector<16xi32>, vector<16xi32>], vector<16xf32>,
      %gather3A_113 = tpu.vector_load_idx %arg10[%get3A_25, %broadcast_in_dim3A_111] : memref<128x16xf32, #tpu.memory_space<vmem>>[vector<16xi32>, vector<16xi32>], vector<16xf32>,
      %add3A_114 = arith.constant 16 : i32
      %add3A_115 = vector.broadcast %add3A_114 : i32 to vector<16xi32>
      %add3A_116 = arith.addi %broadcast_in_dim3A_111, %add3A_115 : vector<16xi32>
      tpu.vector_store_idx %arg11[%add3A_27, %add3A_116], %gather3A_113 : memref<1568x32xf32, #tpu.memory_space<vmem>>[vector<16xi32>, vector<16xi32>], vector<16xf32>,
      %broadcast_in_dim3A_117 = arith.constant 13 : i32
      %broadcast_in_dim3A_118 = vector.broadcast %broadcast_in_dim3A_117 : i32 to vector<16xi32>
      %gather3A_119 = tpu.vector_load_idx %arg9[%get3A_23, %broadcast_in_dim3A_118] : memref<128x16xf32, #tpu.memory_space<vmem>>[vector<16xi32>, vector<16xi32>], vector<16xf32>,
      tpu.vector_store_idx %arg11[%add3A_27, %broadcast_in_dim3A_118], %gather3A_119 : memref<1568x32xf32, #tpu.memory_space<vmem>>[vector<16xi32>, vector<16xi32>], vector<16xf32>,
      %gather3A_120 = tpu.vector_load_idx %arg10[%get3A_25, %broadcast_in_dim3A_118] : memref<128x16xf32, #tpu.memory_space<vmem>>[vector<16xi32>, vector<16xi32>], vector<16xf32>,
      %add3A_121 = arith.constant 16 : i32
      %add3A_122 = vector.broadcast %add3A_121 : i32 to vector<16xi32>
      %add3A_123 = arith.addi %broadcast_in_dim3A_118, %add3A_122 : vector<16xi32>
      tpu.vector_store_idx %arg11[%add3A_27, %add3A_123], %gather3A_120 : memref<1568x32xf32, #tpu.memory_space<vmem>>[vector<16xi32>, vector<16xi32>], vector<16xf32>,
      %broadcast_in_dim3A_124 = arith.constant 14 : i32
      %broadcast_in_dim3A_125 = vector.broadcast %broadcast_in_dim3A_124 : i32 to vector<16xi32>
      %gather3A_126 = tpu.vector_load_idx %arg9[%get3A_23, %broadcast_in_dim3A_125] : memref<128x16xf32, #tpu.memory_space<vmem>>[vector<16xi32>, vector<16xi32>], vector<16xf32>,
      tpu.vector_store_idx %arg11[%add3A_27, %broadcast_in_dim3A_125], %gather3A_126 : memref<1568x32xf32, #tpu.memory_space<vmem>>[vector<16xi32>, vector<16xi32>], vector<16xf32>,
      %gather3A_127 = tpu.vector_load_idx %arg10[%get3A_25, %broadcast_in_dim3A_125] : memref<128x16xf32, #tpu.memory_space<vmem>>[vector<16xi32>, vector<16xi32>], vector<16xf32>,
      %add3A_128 = arith.constant 16 : i32
      %add3A_129 = vector.broadcast %add3A_128 : i32 to vector<16xi32>
      %add3A_130 = arith.addi %broadcast_in_dim3A_125, %add3A_129 : vector<16xi32>
      tpu.vector_store_idx %arg11[%add3A_27, %add3A_130], %gather3A_127 : memref<1568x32xf32, #tpu.memory_space<vmem>>[vector<16xi32>, vector<16xi32>], vector<16xf32>,
      %broadcast_in_dim3A_131 = arith.constant 15 : i32
      %broadcast_in_dim3A_132 = vector.broadcast %broadcast_in_dim3A_131 : i32 to vector<16xi32>
      %gather3A_133 = tpu.vector_load_idx %arg9[%get3A_23, %broadcast_in_dim3A_132] : memref<128x16xf32, #tpu.memory_space<vmem>>[vector<16xi32>, vector<16xi32>], vector<16xf32>,
      tpu.vector_store_idx %arg11[%add3A_27, %broadcast_in_dim3A_132], %gather3A_133 : memref<1568x32xf32, #tpu.memory_space<vmem>>[vector<16xi32>, vector<16xi32>], vector<16xf32>,
      %gather3A_134 = tpu.vector_load_idx %arg10[%get3A_25, %broadcast_in_dim3A_132] : memref<128x16xf32, #tpu.memory_space<vmem>>[vector<16xi32>, vector<16xi32>], vector<16xf32>,
      %add3A_135 = arith.constant 16 : i32
      %add3A_136 = vector.broadcast %add3A_135 : i32 to vector<16xi32>
      %add3A_137 = arith.addi %broadcast_in_dim3A_132, %add3A_136 : vector<16xi32>
      tpu.vector_store_idx %arg11[%add3A_27, %add3A_137], %gather3A_134 : memref<1568x32xf32, #tpu.memory_space<vmem>>[vector<16xi32>, vector<16xi32>], vector<16xf32>,
    }
    %scan3A_6 = arith.constant 98 : i32
    %add3A_7 = arith.constant 0 : i32
    %add3A_8 = arith.addi %mul3A_2, %add3A_7 : i32
    "tpu.region"() ({
      %run_scoped3A = tpu.sem_alloc : memref<!tpu.dma_semaphore, #tpu.memory_space<semaphore_mem>>
      %dma_start3A = arith.constant 0 : i32
      %dma_start3A_16 = tpu.memref_slice %arg6[%add3A_8, %dma_start3A] : memref<100352x32xf32, #tpu.memory_space<hbm>> -> memref<1568x32xf32, #tpu.memory_space<hbm>>
      %dma_start3A_17 = arith.constant 0 : i32
      %dma_start3A_18 = tpu.memref_slice %arg6[%add3A_8, %dma_start3A_17] : memref<100352x32xf32, #tpu.memory_space<hbm>> -> memref<1568x32xf32, #tpu.memory_space<hbm>>
      tpu.enqueue_dma source(%arg11 : memref<1568x32xf32, #tpu.memory_space<vmem>>) target(%dma_start3A_18 : memref<1568x32xf32, #tpu.memory_space<hbm>>) target_semaphore(%run_scoped3A : memref<!tpu.dma_semaphore, #tpu.memory_space<semaphore_mem>>)
      %dma_wait3A = arith.constant 0 : i32
      %dma_wait3A_19 = tpu.memref_slice %arg6[%add3A_8, %dma_wait3A] : memref<100352x32xf32, #tpu.memory_space<hbm>> -> memref<1568x32xf32, #tpu.memory_space<hbm>>
      %dma_wait3A_20 = arith.constant 0 : i32
      %dma_wait3A_21 = tpu.memref_slice %arg6[%add3A_8, %dma_wait3A_20] : memref<100352x32xf32, #tpu.memory_space<hbm>> -> memref<1568x32xf32, #tpu.memory_space<hbm>>
      tpu.wait_dma2 semaphore(%run_scoped3A : memref<!tpu.dma_semaphore, #tpu.memory_space<semaphore_mem>>) src(%arg11 : memref<1568x32xf32, #tpu.memory_space<vmem>>) dst(%dma_wait3A_21 : memref<1568x32xf32, #tpu.memory_space<hbm>>)
      tpu.yield
    }) : () -> ()
    %scan3A_9 = arith.constant 0 : i32
    %scan3A_10 = arith.constant 98 : i32
    %scan3A_11 = arith.addi %scan3A_9, %scan3A_10 : i32
    %scan3A_12 = arith.constant 1 : i32
    scf.for %scan3A_16 = %scan3A_9 to %scan3A_11 step %scan3A_12  : i32 {
      %mul3A_17 = arith.constant 16 : i32
      %mul3A_18 = arith.muli %scan3A_16, %mul3A_17 : i32
      %add3A_19 = arith.constant 0 : i32
      %add3A_20 = arith.addi %add3A_19, %mul3A_18 : i32
      %add3A_21 = arith.constant 1568 : i32
      %add3A_22 = arith.addi %add3A_21, %add3A_20 : i32
      %get3A = arith.index_cast %add3A_22 : i32 to index
      %get3A_23 = tpu.vector_load %arg7[%get3A] {strides = array<i32>} : memref<3136xi32, #tpu.memory_space<vmem>>, vector<16xi32>,
      %get3A_24 = arith.index_cast %add3A_22 : i32 to index
      %get3A_25 = tpu.vector_load %arg8[%get3A_24] {strides = array<i32>} : memref<3136xi32, #tpu.memory_space<vmem>>, vector<16xi32>,
      %add3A_26 = vector.broadcast %add3A_20 : i32 to vector<16xi32>
      %add3A_27 = arith.addi %add3A_26, %iota3A : vector<16xi32>
      %broadcast_in_dim3A = arith.constant 0 : i32
      %broadcast_in_dim3A_28 = vector.broadcast %broadcast_in_dim3A : i32 to vector<16xi32>
      %gather3A = tpu.vector_load_idx %arg9[%get3A_23, %broadcast_in_dim3A_28] : memref<128x16xf32, #tpu.memory_space<vmem>>[vector<16xi32>, vector<16xi32>], vector<16xf32>,
      tpu.vector_store_idx %arg11[%add3A_27, %broadcast_in_dim3A_28], %gather3A : memref<1568x32xf32, #tpu.memory_space<vmem>>[vector<16xi32>, vector<16xi32>], vector<16xf32>,
      %gather3A_29 = tpu.vector_load_idx %arg10[%get3A_25, %broadcast_in_dim3A_28] : memref<128x16xf32, #tpu.memory_space<vmem>>[vector<16xi32>, vector<16xi32>], vector<16xf32>,
      %add3A_30 = arith.constant 16 : i32
      %add3A_31 = vector.broadcast %add3A_30 : i32 to vector<16xi32>
      %add3A_32 = arith.addi %broadcast_in_dim3A_28, %add3A_31 : vector<16xi32>
      tpu.vector_store_idx %arg11[%add3A_27, %add3A_32], %gather3A_29 : memref<1568x32xf32, #tpu.memory_space<vmem>>[vector<16xi32>, vector<16xi32>], vector<16xf32>,
      %broadcast_in_dim3A_33 = arith.constant 1 : i32
      %broadcast_in_dim3A_34 = vector.broadcast %broadcast_in_dim3A_33 : i32 to vector<16xi32>
      %gather3A_35 = tpu.vector_load_idx %arg9[%get3A_23, %broadcast_in_dim3A_34] : memref<128x16xf32, #tpu.memory_space<vmem>>[vector<16xi32>, vector<16xi32>], vector<16xf32>,
      tpu.vector_store_idx %arg11[%add3A_27, %broadcast_in_dim3A_34], %gather3A_35 : memref<1568x32xf32, #tpu.memory_space<vmem>>[vector<16xi32>, vector<16xi32>], vector<16xf32>,
      %gather3A_36 = tpu.vector_load_idx %arg10[%get3A_25, %broadcast_in_dim3A_34] : memref<128x16xf32, #tpu.memory_space<vmem>>[vector<16xi32>, vector<16xi32>], vector<16xf32>,
      %add3A_37 = arith.constant 16 : i32
      %add3A_38 = vector.broadcast %add3A_37 : i32 to vector<16xi32>
      %add3A_39 = arith.addi %broadcast_in_dim3A_34, %add3A_38 : vector<16xi32>
      tpu.vector_store_idx %arg11[%add3A_27, %add3A_39], %gather3A_36 : memref<1568x32xf32, #tpu.memory_space<vmem>>[vector<16xi32>, vector<16xi32>], vector<16xf32>,
      %broadcast_in_dim3A_40 = arith.constant 2 : i32
      %broadcast_in_dim3A_41 = vector.broadcast %broadcast_in_dim3A_40 : i32 to vector<16xi32>
      %gather3A_42 = tpu.vector_load_idx %arg9[%get3A_23, %broadcast_in_dim3A_41] : memref<128x16xf32, #tpu.memory_space<vmem>>[vector<16xi32>, vector<16xi32>], vector<16xf32>,
      tpu.vector_store_idx %arg11[%add3A_27, %broadcast_in_dim3A_41], %gather3A_42 : memref<1568x32xf32, #tpu.memory_space<vmem>>[vector<16xi32>, vector<16xi32>], vector<16xf32>,
      %gather3A_43 = tpu.vector_load_idx %arg10[%get3A_25, %broadcast_in_dim3A_41] : memref<128x16xf32, #tpu.memory_space<vmem>>[vector<16xi32>, vector<16xi32>], vector<16xf32>,
      %add3A_44 = arith.constant 16 : i32
      %add3A_45 = vector.broadcast %add3A_44 : i32 to vector<16xi32>
      %add3A_46 = arith.addi %broadcast_in_dim3A_41, %add3A_45 : vector<16xi32>
      tpu.vector_store_idx %arg11[%add3A_27, %add3A_46], %gather3A_43 : memref<1568x32xf32, #tpu.memory_space<vmem>>[vector<16xi32>, vector<16xi32>], vector<16xf32>,
      %broadcast_in_dim3A_47 = arith.constant 3 : i32
      %broadcast_in_dim3A_48 = vector.broadcast %broadcast_in_dim3A_47 : i32 to vector<16xi32>
      %gather3A_49 = tpu.vector_load_idx %arg9[%get3A_23, %broadcast_in_dim3A_48] : memref<128x16xf32, #tpu.memory_space<vmem>>[vector<16xi32>, vector<16xi32>], vector<16xf32>,
      tpu.vector_store_idx %arg11[%add3A_27, %broadcast_in_dim3A_48], %gather3A_49 : memref<1568x32xf32, #tpu.memory_space<vmem>>[vector<16xi32>, vector<16xi32>], vector<16xf32>,
      %gather3A_50 = tpu.vector_load_idx %arg10[%get3A_25, %broadcast_in_dim3A_48] : memref<128x16xf32, #tpu.memory_space<vmem>>[vector<16xi32>, vector<16xi32>], vector<16xf32>,
      %add3A_51 = arith.constant 16 : i32
      %add3A_52 = vector.broadcast %add3A_51 : i32 to vector<16xi32>
      %add3A_53 = arith.addi %broadcast_in_dim3A_48, %add3A_52 : vector<16xi32>
      tpu.vector_store_idx %arg11[%add3A_27, %add3A_53], %gather3A_50 : memref<1568x32xf32, #tpu.memory_space<vmem>>[vector<16xi32>, vector<16xi32>], vector<16xf32>,
      %broadcast_in_dim3A_54 = arith.constant 4 : i32
      %broadcast_in_dim3A_55 = vector.broadcast %broadcast_in_dim3A_54 : i32 to vector<16xi32>
      %gather3A_56 = tpu.vector_load_idx %arg9[%get3A_23, %broadcast_in_dim3A_55] : memref<128x16xf32, #tpu.memory_space<vmem>>[vector<16xi32>, vector<16xi32>], vector<16xf32>,
      tpu.vector_store_idx %arg11[%add3A_27, %broadcast_in_dim3A_55], %gather3A_56 : memref<1568x32xf32, #tpu.memory_space<vmem>>[vector<16xi32>, vector<16xi32>], vector<16xf32>,
      %gather3A_57 = tpu.vector_load_idx %arg10[%get3A_25, %broadcast_in_dim3A_55] : memref<128x16xf32, #tpu.memory_space<vmem>>[vector<16xi32>, vector<16xi32>], vector<16xf32>,
      %add3A_58 = arith.constant 16 : i32
      %add3A_59 = vector.broadcast %add3A_58 : i32 to vector<16xi32>
      %add3A_60 = arith.addi %broadcast_in_dim3A_55, %add3A_59 : vector<16xi32>
      tpu.vector_store_idx %arg11[%add3A_27, %add3A_60], %gather3A_57 : memref<1568x32xf32, #tpu.memory_space<vmem>>[vector<16xi32>, vector<16xi32>], vector<16xf32>,
      %broadcast_in_dim3A_61 = arith.constant 5 : i32
      %broadcast_in_dim3A_62 = vector.broadcast %broadcast_in_dim3A_61 : i32 to vector<16xi32>
      %gather3A_63 = tpu.vector_load_idx %arg9[%get3A_23, %broadcast_in_dim3A_62] : memref<128x16xf32, #tpu.memory_space<vmem>>[vector<16xi32>, vector<16xi32>], vector<16xf32>,
      tpu.vector_store_idx %arg11[%add3A_27, %broadcast_in_dim3A_62], %gather3A_63 : memref<1568x32xf32, #tpu.memory_space<vmem>>[vector<16xi32>, vector<16xi32>], vector<16xf32>,
      %gather3A_64 = tpu.vector_load_idx %arg10[%get3A_25, %broadcast_in_dim3A_62] : memref<128x16xf32, #tpu.memory_space<vmem>>[vector<16xi32>, vector<16xi32>], vector<16xf32>,
      %add3A_65 = arith.constant 16 : i32
      %add3A_66 = vector.broadcast %add3A_65 : i32 to vector<16xi32>
      %add3A_67 = arith.addi %broadcast_in_dim3A_62, %add3A_66 : vector<16xi32>
      tpu.vector_store_idx %arg11[%add3A_27, %add3A_67], %gather3A_64 : memref<1568x32xf32, #tpu.memory_space<vmem>>[vector<16xi32>, vector<16xi32>], vector<16xf32>,
      %broadcast_in_dim3A_68 = arith.constant 6 : i32
      %broadcast_in_dim3A_69 = vector.broadcast %broadcast_in_dim3A_68 : i32 to vector<16xi32>
      %gather3A_70 = tpu.vector_load_idx %arg9[%get3A_23, %broadcast_in_dim3A_69] : memref<128x16xf32, #tpu.memory_space<vmem>>[vector<16xi32>, vector<16xi32>], vector<16xf32>,
      tpu.vector_store_idx %arg11[%add3A_27, %broadcast_in_dim3A_69], %gather3A_70 : memref<1568x32xf32, #tpu.memory_space<vmem>>[vector<16xi32>, vector<16xi32>], vector<16xf32>,
      %gather3A_71 = tpu.vector_load_idx %arg10[%get3A_25, %broadcast_in_dim3A_69] : memref<128x16xf32, #tpu.memory_space<vmem>>[vector<16xi32>, vector<16xi32>], vector<16xf32>,
      %add3A_72 = arith.constant 16 : i32
      %add3A_73 = vector.broadcast %add3A_72 : i32 to vector<16xi32>
      %add3A_74 = arith.addi %broadcast_in_dim3A_69, %add3A_73 : vector<16xi32>
      tpu.vector_store_idx %arg11[%add3A_27, %add3A_74], %gather3A_71 : memref<1568x32xf32, #tpu.memory_space<vmem>>[vector<16xi32>, vector<16xi32>], vector<16xf32>,
      %broadcast_in_dim3A_75 = arith.constant 7 : i32
      %broadcast_in_dim3A_76 = vector.broadcast %broadcast_in_dim3A_75 : i32 to vector<16xi32>
      %gather3A_77 = tpu.vector_load_idx %arg9[%get3A_23, %broadcast_in_dim3A_76] : memref<128x16xf32, #tpu.memory_space<vmem>>[vector<16xi32>, vector<16xi32>], vector<16xf32>,
      tpu.vector_store_idx %arg11[%add3A_27, %broadcast_in_dim3A_76], %gather3A_77 : memref<1568x32xf32, #tpu.memory_space<vmem>>[vector<16xi32>, vector<16xi32>], vector<16xf32>,
      %gather3A_78 = tpu.vector_load_idx %arg10[%get3A_25, %broadcast_in_dim3A_76] : memref<128x16xf32, #tpu.memory_space<vmem>>[vector<16xi32>, vector<16xi32>], vector<16xf32>,
      %add3A_79 = arith.constant 16 : i32
      %add3A_80 = vector.broadcast %add3A_79 : i32 to vector<16xi32>
      %add3A_81 = arith.addi %broadcast_in_dim3A_76, %add3A_80 : vector<16xi32>
      tpu.vector_store_idx %arg11[%add3A_27, %add3A_81], %gather3A_78 : memref<1568x32xf32, #tpu.memory_space<vmem>>[vector<16xi32>, vector<16xi32>], vector<16xf32>,
      %broadcast_in_dim3A_82 = arith.constant 8 : i32
      %broadcast_in_dim3A_83 = vector.broadcast %broadcast_in_dim3A_82 : i32 to vector<16xi32>
      %gather3A_84 = tpu.vector_load_idx %arg9[%get3A_23, %broadcast_in_dim3A_83] : memref<128x16xf32, #tpu.memory_space<vmem>>[vector<16xi32>, vector<16xi32>], vector<16xf32>,
      tpu.vector_store_idx %arg11[%add3A_27, %broadcast_in_dim3A_83], %gather3A_84 : memref<1568x32xf32, #tpu.memory_space<vmem>>[vector<16xi32>, vector<16xi32>], vector<16xf32>,
      %gather3A_85 = tpu.vector_load_idx %arg10[%get3A_25, %broadcast_in_dim3A_83] : memref<128x16xf32, #tpu.memory_space<vmem>>[vector<16xi32>, vector<16xi32>], vector<16xf32>,
      %add3A_86 = arith.constant 16 : i32
      %add3A_87 = vector.broadcast %add3A_86 : i32 to vector<16xi32>
      %add3A_88 = arith.addi %broadcast_in_dim3A_83, %add3A_87 : vector<16xi32>
      tpu.vector_store_idx %arg11[%add3A_27, %add3A_88], %gather3A_85 : memref<1568x32xf32, #tpu.memory_space<vmem>>[vector<16xi32>, vector<16xi32>], vector<16xf32>,
      %broadcast_in_dim3A_89 = arith.constant 9 : i32
      %broadcast_in_dim3A_90 = vector.broadcast %broadcast_in_dim3A_89 : i32 to vector<16xi32>
      %gather3A_91 = tpu.vector_load_idx %arg9[%get3A_23, %broadcast_in_dim3A_90] : memref<128x16xf32, #tpu.memory_space<vmem>>[vector<16xi32>, vector<16xi32>], vector<16xf32>,
      tpu.vector_store_idx %arg11[%add3A_27, %broadcast_in_dim3A_90], %gather3A_91 : memref<1568x32xf32, #tpu.memory_space<vmem>>[vector<16xi32>, vector<16xi32>], vector<16xf32>,
      %gather3A_92 = tpu.vector_load_idx %arg10[%get3A_25, %broadcast_in_dim3A_90] : memref<128x16xf32, #tpu.memory_space<vmem>>[vector<16xi32>, vector<16xi32>], vector<16xf32>,
      %add3A_93 = arith.constant 16 : i32
      %add3A_94 = vector.broadcast %add3A_93 : i32 to vector<16xi32>
      %add3A_95 = arith.addi %broadcast_in_dim3A_90, %add3A_94 : vector<16xi32>
      tpu.vector_store_idx %arg11[%add3A_27, %add3A_95], %gather3A_92 : memref<1568x32xf32, #tpu.memory_space<vmem>>[vector<16xi32>, vector<16xi32>], vector<16xf32>,
      %broadcast_in_dim3A_96 = arith.constant 10 : i32
      %broadcast_in_dim3A_97 = vector.broadcast %broadcast_in_dim3A_96 : i32 to vector<16xi32>
      %gather3A_98 = tpu.vector_load_idx %arg9[%get3A_23, %broadcast_in_dim3A_97] : memref<128x16xf32, #tpu.memory_space<vmem>>[vector<16xi32>, vector<16xi32>], vector<16xf32>,
      tpu.vector_store_idx %arg11[%add3A_27, %broadcast_in_dim3A_97], %gather3A_98 : memref<1568x32xf32, #tpu.memory_space<vmem>>[vector<16xi32>, vector<16xi32>], vector<16xf32>,
      %gather3A_99 = tpu.vector_load_idx %arg10[%get3A_25, %broadcast_in_dim3A_97] : memref<128x16xf32, #tpu.memory_space<vmem>>[vector<16xi32>, vector<16xi32>], vector<16xf32>,
      %add3A_100 = arith.constant 16 : i32
      %add3A_101 = vector.broadcast %add3A_100 : i32 to vector<16xi32>
      %add3A_102 = arith.addi %broadcast_in_dim3A_97, %add3A_101 : vector<16xi32>
      tpu.vector_store_idx %arg11[%add3A_27, %add3A_102], %gather3A_99 : memref<1568x32xf32, #tpu.memory_space<vmem>>[vector<16xi32>, vector<16xi32>], vector<16xf32>,
      %broadcast_in_dim3A_103 = arith.constant 11 : i32
      %broadcast_in_dim3A_104 = vector.broadcast %broadcast_in_dim3A_103 : i32 to vector<16xi32>
      %gather3A_105 = tpu.vector_load_idx %arg9[%get3A_23, %broadcast_in_dim3A_104] : memref<128x16xf32, #tpu.memory_space<vmem>>[vector<16xi32>, vector<16xi32>], vector<16xf32>,
      tpu.vector_store_idx %arg11[%add3A_27, %broadcast_in_dim3A_104], %gather3A_105 : memref<1568x32xf32, #tpu.memory_space<vmem>>[vector<16xi32>, vector<16xi32>], vector<16xf32>,
      %gather3A_106 = tpu.vector_load_idx %arg10[%get3A_25, %broadcast_in_dim3A_104] : memref<128x16xf32, #tpu.memory_space<vmem>>[vector<16xi32>, vector<16xi32>], vector<16xf32>,
      %add3A_107 = arith.constant 16 : i32
      %add3A_108 = vector.broadcast %add3A_107 : i32 to vector<16xi32>
      %add3A_109 = arith.addi %broadcast_in_dim3A_104, %add3A_108 : vector<16xi32>
      tpu.vector_store_idx %arg11[%add3A_27, %add3A_109], %gather3A_106 : memref<1568x32xf32, #tpu.memory_space<vmem>>[vector<16xi32>, vector<16xi32>], vector<16xf32>,
      %broadcast_in_dim3A_110 = arith.constant 12 : i32
      %broadcast_in_dim3A_111 = vector.broadcast %broadcast_in_dim3A_110 : i32 to vector<16xi32>
      %gather3A_112 = tpu.vector_load_idx %arg9[%get3A_23, %broadcast_in_dim3A_111] : memref<128x16xf32, #tpu.memory_space<vmem>>[vector<16xi32>, vector<16xi32>], vector<16xf32>,
      tpu.vector_store_idx %arg11[%add3A_27, %broadcast_in_dim3A_111], %gather3A_112 : memref<1568x32xf32, #tpu.memory_space<vmem>>[vector<16xi32>, vector<16xi32>], vector<16xf32>,
      %gather3A_113 = tpu.vector_load_idx %arg10[%get3A_25, %broadcast_in_dim3A_111] : memref<128x16xf32, #tpu.memory_space<vmem>>[vector<16xi32>, vector<16xi32>], vector<16xf32>,
      %add3A_114 = arith.constant 16 : i32
      %add3A_115 = vector.broadcast %add3A_114 : i32 to vector<16xi32>
      %add3A_116 = arith.addi %broadcast_in_dim3A_111, %add3A_115 : vector<16xi32>
      tpu.vector_store_idx %arg11[%add3A_27, %add3A_116], %gather3A_113 : memref<1568x32xf32, #tpu.memory_space<vmem>>[vector<16xi32>, vector<16xi32>], vector<16xf32>,
      %broadcast_in_dim3A_117 = arith.constant 13 : i32
      %broadcast_in_dim3A_118 = vector.broadcast %broadcast_in_dim3A_117 : i32 to vector<16xi32>
      %gather3A_119 = tpu.vector_load_idx %arg9[%get3A_23, %broadcast_in_dim3A_118] : memref<128x16xf32, #tpu.memory_space<vmem>>[vector<16xi32>, vector<16xi32>], vector<16xf32>,
      tpu.vector_store_idx %arg11[%add3A_27, %broadcast_in_dim3A_118], %gather3A_119 : memref<1568x32xf32, #tpu.memory_space<vmem>>[vector<16xi32>, vector<16xi32>], vector<16xf32>,
      %gather3A_120 = tpu.vector_load_idx %arg10[%get3A_25, %broadcast_in_dim3A_118] : memref<128x16xf32, #tpu.memory_space<vmem>>[vector<16xi32>, vector<16xi32>], vector<16xf32>,
      %add3A_121 = arith.constant 16 : i32
      %add3A_122 = vector.broadcast %add3A_121 : i32 to vector<16xi32>
      %add3A_123 = arith.addi %broadcast_in_dim3A_118, %add3A_122 : vector<16xi32>
      tpu.vector_store_idx %arg11[%add3A_27, %add3A_123], %gather3A_120 : memref<1568x32xf32, #tpu.memory_space<vmem>>[vector<16xi32>, vector<16xi32>], vector<16xf32>,
      %broadcast_in_dim3A_124 = arith.constant 14 : i32
      %broadcast_in_dim3A_125 = vector.broadcast %broadcast_in_dim3A_124 : i32 to vector<16xi32>
      %gather3A_126 = tpu.vector_load_idx %arg9[%get3A_23, %broadcast_in_dim3A_125] : memref<128x16xf32, #tpu.memory_space<vmem>>[vector<16xi32>, vector<16xi32>], vector<16xf32>,
      tpu.vector_store_idx %arg11[%add3A_27, %broadcast_in_dim3A_125], %gather3A_126 : memref<1568x32xf32, #tpu.memory_space<vmem>>[vector<16xi32>, vector<16xi32>], vector<16xf32>,
      %gather3A_127 = tpu.vector_load_idx %arg10[%get3A_25, %broadcast_in_dim3A_125] : memref<128x16xf32, #tpu.memory_space<vmem>>[vector<16xi32>, vector<16xi32>], vector<16xf32>,
      %add3A_128 = arith.constant 16 : i32
      %add3A_129 = vector.broadcast %add3A_128 : i32 to vector<16xi32>
      %add3A_130 = arith.addi %broadcast_in_dim3A_125, %add3A_129 : vector<16xi32>
      tpu.vector_store_idx %arg11[%add3A_27, %add3A_130], %gather3A_127 : memref<1568x32xf32, #tpu.memory_space<vmem>>[vector<16xi32>, vector<16xi32>], vector<16xf32>,
      %broadcast_in_dim3A_131 = arith.constant 15 : i32
      %broadcast_in_dim3A_132 = vector.broadcast %broadcast_in_dim3A_131 : i32 to vector<16xi32>
      %gather3A_133 = tpu.vector_load_idx %arg9[%get3A_23, %broadcast_in_dim3A_132] : memref<128x16xf32, #tpu.memory_space<vmem>>[vector<16xi32>, vector<16xi32>], vector<16xf32>,
      tpu.vector_store_idx %arg11[%add3A_27, %broadcast_in_dim3A_132], %gather3A_133 : memref<1568x32xf32, #tpu.memory_space<vmem>>[vector<16xi32>, vector<16xi32>], vector<16xf32>,
      %gather3A_134 = tpu.vector_load_idx %arg10[%get3A_25, %broadcast_in_dim3A_132] : memref<128x16xf32, #tpu.memory_space<vmem>>[vector<16xi32>, vector<16xi32>], vector<16xf32>,
      %add3A_135 = arith.constant 16 : i32
      %add3A_136 = vector.broadcast %add3A_135 : i32 to vector<16xi32>
      %add3A_137 = arith.addi %broadcast_in_dim3A_132, %add3A_136 : vector<16xi32>
      tpu.vector_store_idx %arg11[%add3A_27, %add3A_137], %gather3A_134 : memref<1568x32xf32, #tpu.memory_space<vmem>>[vector<16xi32>, vector<16xi32>], vector<16xf32>,
    }
    %scan3A_13 = arith.constant 98 : i32
    %add3A_14 = arith.constant 1568 : i32
    %add3A_15 = arith.addi %mul3A_2, %add3A_14 : i32
    "tpu.region"() ({
      %run_scoped3A = tpu.sem_alloc : memref<!tpu.dma_semaphore, #tpu.memory_space<semaphore_mem>>
      %dma_start3A = arith.constant 0 : i32
      %dma_start3A_16 = tpu.memref_slice %arg6[%add3A_15, %dma_start3A] : memref<100352x32xf32, #tpu.memory_space<hbm>> -> memref<1568x32xf32, #tpu.memory_space<hbm>>
      %dma_start3A_17 = arith.constant 0 : i32
      %dma_start3A_18 = tpu.memref_slice %arg6[%add3A_15, %dma_start3A_17] : memref<100352x32xf32, #tpu.memory_space<hbm>> -> memref<1568x32xf32, #tpu.memory_space<hbm>>
      tpu.enqueue_dma source(%arg11 : memref<1568x32xf32, #tpu.memory_space<vmem>>) target(%dma_start3A_18 : memref<1568x32xf32, #tpu.memory_space<hbm>>) target_semaphore(%run_scoped3A : memref<!tpu.dma_semaphore, #tpu.memory_space<semaphore_mem>>)
      %dma_wait3A = arith.constant 0 : i32
      %dma_wait3A_19 = tpu.memref_slice %arg6[%add3A_15, %dma_wait3A] : memref<100352x32xf32, #tpu.memory_space<hbm>> -> memref<1568x32xf32, #tpu.memory_space<hbm>>
      %dma_wait3A_20 = arith.constant 0 : i32
      %dma_wait3A_21 = tpu.memref_slice %arg6[%add3A_15, %dma_wait3A_20] : memref<100352x32xf32, #tpu.memory_space<hbm>> -> memref<1568x32xf32, #tpu.memory_space<hbm>>
      tpu.wait_dma2 semaphore(%run_scoped3A : memref<!tpu.dma_semaphore, #tpu.memory_space<semaphore_mem>>) src(%arg11 : memref<1568x32xf32, #tpu.memory_space<vmem>>) dst(%dma_wait3A_21 : memref<1568x32xf32, #tpu.memory_space<hbm>>)
      tpu.yield
    }) : () -> ()
    return
  }
}

</mosaic_0001>

<sc_bundles>
// kernel: _embed.3.cloned.1.call-start
scs
__scs_entry_jumppad:
0x0: {  	(pc) =	sbr.rel $0x88, $3  }
0x1: {  	(tag) =	ssettag $0x0;
	lr =	simm.s32 $0x1  }
0x2: {  	[smem:$0x3F9D] =	sst lr;
	_ =	strace $0xD0000000  }
0x3: {  	_ = 	snop  }
0x4: {  	_ = 	snop  }
0x5: {  	_ = 	snop  }
0x6: {  	_ = 	snop  }
0x7: {  	_ = 	snop  }
__scs_overlays_trampoline_lowered:
0x8: {  	[smem:$0x3FAC] =	sst s0  }
0x9: {  	[smem:$0x3FAD] =	sst s1  }
0xa: {  	[smem:$0x3FAE] =	sst s2  }
0xb: {  	[smem:$0x3FAF] =	sst s3  }
0xc: {  	[smem:$0x3FB0] =	sst s4  }
0xd: {  	[smem:$0x3FB1] =	sst s5  }
0xe: {  	[smem:$0x3FB2] =	sst s6  }
0xf: {  	[smem:$0x3FB3] =	sst s7  }
0x10: {  	[smem:$0x3FB4] =	sst s8  }
0x11: {  	[smem:$0x3FB5] =	sst s9;
	s0 =	simm.s32 @!p0 $0x0  }
0x12: {  	s1 =	sld [smem:$0x3F9B];
	s0 =	simm.s32 @p0 $0x1  }
0x13: {  	[smem:$0x3FB6] =	sst s0;
	s0 =	simm.s32 @!p1 $0x0  }
0x14: {  	s2 =	sld [smem:$0x3F9A];
	s0 =	simm.s32 @p1 $0x1  }
0x15: {  	[smem:$0x3FB7] =	sst s0;
	s0 =	simm.s32 @!p2 $0x0  }
0x16: {  	s3 =	sld [smem:$0x3FDB];
	s0 =	simm.s32 @p2 $0x1  }
0x17: {  	s4 =	simm.s32 $0x1BF5;
	[smem:$0x3FB9] =	sst s0  }
0x18: {  	s0 =	sld [smem:$0x3F9C];
	_ =	swait.ge [sflag:s4], $0x0  }
0x19: {  	s7 =	sld [smem:$0x3F9D]  }
0x1a: {  	s8 =	sadd.s32 $0xFFFFE003, lr  }
0x1b: {  	s9 =	sadd.s32 $0xFFFFFEF7, lr;
	s5 =	simm.s32 $0xFFFFFFFF;
	p2 =	slt.u32 s8, $0xFFFFF086  }
0x1c: {  	p1 =	slt.u32 s9, $0xF7A;
	s5 =	simm.s32 @!p2 $0x0  }
0x1d: {  	s5 =	simm.s32 @p1 $0x1;
	p0 =	seq.s32 s7, s2  }
0x1e: {  	s7 =	smul.u32 @!p0 $0xF7A, s2;
	p2 =	seq.s32 @!p0 s5, $0x0  }
0x1f: {  	s9 =	smul.u32 $0xF7A, s1;
	s8 =	simm.s32 @!p0 $0x1BF5;
	p2 =	por !p2, p0  }
0x20: {  	[sflag:s8] =	ssyncset.s32 @!p0 $0xFFFFF086;
	s6 =	sadd.s32 @!p0 s3, s7;
	s7 =	simm.s32 @!p0 $0x108  }
0x21: {  	s3 =	sadd.s32 s3, s9;
	s6 =	sadd.s32 @!p0 $0x88, s6;
	s7 =	simm.s32 @p2 $0x1082  }
0x22: {  	[simem:s7], [sflag:s8] =	dma.local @!p0 [hbm:s6], $0xF7A  }
0x23: {  	s9 =	sor.u32 $0xD0000000, s2;
	s6 =	simm.s32 $0x108;
	_ =	swait.ge @!p0 [sflag:s8], $0x0  }
0x24: {  	s3 =	sadd.s32 $0x88, s3;
	s6 =	simm.s32 @!p1 $0x1082;
	[sflag:s4] =	ssyncset.s32 $0xFFFFF086  }
0x25: {  	[simem:s6], [sflag:s4] =	dma.local [hbm:s3], $0xF7A  }
0x26: {  	[smem:$0x3F9D] =	sst s1;
	(tag) =	ssettag s2;
	_ =	strace s9  }
0x27: {  	s1 =	sld [smem:$0x3FAD]  }
0x28: {  	s2 =	sld [smem:$0x3FAE]  }
0x29: {  	s4 =	sld [smem:$0x3FB0]  }
0x2a: {  	p0 =	seq.s32 s5, $0x0;
	s5 =	sld [smem:$0x3FB1]  }
0x2b: {  	s6 =	sld [smem:$0x3FB2]  }
0x2c: {  	s7 =	sld [smem:$0x3FB3]  }
0x2d: {  	s3 =	simm.s32 $0x108;
	s8 =	sld [smem:$0x3FB4]  }
0x2e: {  	s3 =	simm.s32 @!p0 $0x1082;
	s9 =	sld [smem:$0x3FB5]  }
0x2f: {  	lr =	sadd.s32 s0, s3;
	s0 =	sld [smem:$0x3FAC]  }
0x30: {  	s3 =	sld [smem:$0x3FAF]  }
0x31: {  	[smem:$0x3FB8] =	sst s10  }
0x32: {  	s10 =	sld [smem:$0x3FB6];
	_ =	sdelay $0x3  }
0x33: {  	p0 =	seq.s32 s10, $0x1;
	s10 =	sld [smem:$0x3FB8];
	_ =	sdelay $0x3  }
0x34: {  	[smem:$0x3FB8] =	sst s10  }
0x35: {  	s10 =	sld [smem:$0x3FB7];
	_ =	sdelay $0x3  }
0x36: {  	p1 =	seq.s32 s10, $0x1;
	s10 =	sld [smem:$0x3FB8];
	_ =	sdelay $0x3  }
0x37: {  	[smem:$0x3FB8] =	sst s10  }
0x38: {  	s10 =	sld [smem:$0x3FB9]  }
0x39: {  	_ = 	snop;
	(pc) =	sbr.ind lr, $3  }
0x3a: {  	_ = 	snop  }
0x3b: {  	_ = 	snop  }
0x3c: {  	p2 =	seq.s32 s10, $0x1;
	s10 =	sld [smem:$0x3FB8]  }
0x3d: {  	_ =	shalt  }
0x3e: {  	_ =	shalt  }
0x3f: {  	_ =	shalt  }
0x40: {  	_ =	shalt  }
0x41: {  	_ =	shalt  }
0x42: {  	_ =	shalt  }
0x43: {  	_ =	shalt  }
0x44: {  	_ =	shalt  }
0x45: {  	_ =	shalt  }
0x46: {  	_ =	shalt  }
0x47: {  	_ =	shalt  }
0x48: {  	_ =	shalt  }
0x49: {  	_ =	shalt  }
0x4a: {  	_ =	shalt  }
0x4b: {  	_ =	shalt  }
0x4c: {  	_ =	shalt  }
0x4d: {  	_ =	shalt  }
0x4e: {  	_ =	shalt  }
0x4f: {  	_ =	shalt  }
0x50: {  	_ =	shalt  }
0x51: {  	_ =	shalt  }
0x52: {  	_ =	shalt  }
0x53: {  	_ =	shalt  }
0x54: {  	_ =	shalt  }
0x55: {  	_ =	shalt  }
0x56: {  	_ =	shalt  }
0x57: {  	_ =	shalt  }
0x58: {  	_ =	shalt  }
0x59: {  	_ =	shalt  }
0x5a: {  	_ =	shalt  }
0x5b: {  	_ =	shalt  }
0x5c: {  	_ =	shalt  }
0x5d: {  	_ =	shalt  }
0x5e: {  	_ =	shalt  }
0x5f: {  	_ =	shalt  }
0x60: {  	_ =	shalt  }
0x61: {  	_ =	shalt  }
0x62: {  	_ =	shalt  }
0x63: {  	_ =	shalt  }
0x64: {  	_ =	shalt  }
0x65: {  	_ =	shalt  }
0x66: {  	_ =	shalt  }
0x67: {  	_ =	shalt  }
0x68: {  	_ =	shalt  }
0x69: {  	_ =	shalt  }
0x6a: {  	_ =	shalt  }
0x6b: {  	_ =	shalt  }
0x6c: {  	_ =	shalt  }
0x6d: {  	_ =	shalt  }
0x6e: {  	_ =	shalt  }
0x6f: {  	_ =	shalt  }
0x70: {  	_ =	shalt  }
0x71: {  	_ =	shalt  }
0x72: {  	_ =	shalt  }
0x73: {  	_ =	shalt  }
0x74: {  	_ =	shalt  }
0x75: {  	_ =	shalt  }
0x76: {  	_ =	shalt  }
0x77: {  	_ =	shalt  }
0x78: {  	_ =	shalt  }
0x79: {  	_ =	shalt  }
0x7a: {  	_ =	shalt  }
0x7b: {  	_ =	shalt  }
0x7c: {  	_ =	shalt  }
0x7d: {  	_ =	shalt  }
0x7e: {  	_ =	shalt  }
0x7f: {  	_ =	shalt  }
0x80: {  	_ =	shalt  }
0x81: {  	_ =	shalt  }
0x82: {  	_ =	shalt  }
0x83: {  	_ =	shalt  }
0x84: {  	_ =	shalt  }
0x85: {  	_ =	shalt  }
0x86: {  	_ =	shalt  }
0x87: {  	_ =	shalt  }
.Lfunc_end0:
.L_simem_size_0:
called_computation_lowered:
.L_overlay_start_0:
0x88: {  	s2 =	sld [smem:$0x3FD9]  }
0x89: {  	s3 =	sld [smem:$0x3FFE];
	_ =	sdelay $0x1  }
0x8a: {  	s1 =	srdreg.scid  }
0x8b: {  	s0 =	sand.u32 $0x1, s1  }
0x8c: {  	s17 =	sshll.u32 s0, $0xA;
	s2 =	sadd.s32 s3, s2  }
0x8d: {  	s2 =	sadd.s32 s2, s17  }
0x8e: {  	[smem:$0x3FC4] =	sst s2  }
0x8f: {  	_ = 	snop  }
0x90: {  	s2 =	sld [smem:$0x3FC9]  }
0x91: {  	s18 =	sld [smem:$0x3FC8]  }
0x92: {  	s4 =	sld [smem:$0x3FD0];
	(tm) =	ssettm $0x1  }
0x93: {  	s5 =	sld [smem:$0x3FFB];
	_ =	sdelay $0x3  }
0x94: {  	_ =	strace s5  }
0x95: {  	s5 =	sld [smem:$0x3FFC];
	_ =	sdelay $0x3  }
0x96: {  	_ =	strace s5  }
0x97: {  	s5 =	sld [smem:$0x3FFD];
	_ =	sdelay $0x3  }
0x98: {  	_ =	strace s5  }
0x99: {  	_ =	strace $0x8FFFFFFF  }
0x9a: {  	s19 =	sld [smem:$0x3FDB];
	_ =	sdelay $0x1  }
0x9b: {  	s6 =	simm.s32 $_scs_section_size  }
0x9c: {  	s7 =	simm.s32 $_size__tile_overlayer_lowered;
	s8 =	simm.s32 $_tile_overlayer_lowered  }
0x9d: {  	s22 =	simm.s32 $0x1BFF;
	s21 =	sshll.u32 s8, $0x1;
	s5 =	sadd.s32 s6, s19  }
0x9e: {  	s9 =	simm.s32 $0x0;
	s20 =	sshll.u32 s7, $0x1;
	s7 =	sadd.s32 s21, s5  }
0x9f: {  	[timem:s9], [sflag:s22] =	dma.local [hbm:s7], s20  }
0xa0: {  	_ =	swait.ge [sflag:s22], s20  }
0xa1: {  	s6 =	ssub.s32 $0x0, s20;
	[sflag:s22] =	ssyncset.done $0x0  }
0xa2: {  	[sflag:s22] =	ssyncadd.s32 s6;
	_ =	sdelay $0x1  }
0xa3: {  	s23 =	simm.s32 $0x1B8B  }
0xa4: {  	_ =	swait.ge [sflag:s23], $0x1  }
0xa5: {  	[sflag:s23] =	ssyncset.done $0x0  }
0xa6: {  	s25 =	simm.s32 $0x1B8E;
	s24 =	sld [smem:$0x3FFE];
	[sflag:s23] =	ssyncadd.s32 $0xFFFFFFFF  }
0xa7: {  	s26 =	simm.s32 $execute0_lowered;
	[smem:$0x3FD2] =	sst s25  }
0xa8: {  	s7 =	sshll.u32 s26, $0x1;
	_ =	strace $0x80000046;
	[dreg:$0x1] =	wrdreg $0xFFFFFFFF  }
0xa9: {  	s28 =	simm.s32 $_size_execute0_lowered;
	s5 =	sadd.s32 s5, s7;
	[dreg:$0x0] =	wrdreg $0x0  }
0xaa: {  	s7 =	sshll.u32 s28, $0x1;
	[dreg:$0x2] =	wrdreg s5  }
0xab: {  	[dreg:$0x3] =	wrdreg s7  }
0xac: {  	[dreg:$0x4] =	wrdreg $0xC0  }
0xad: {  	_ =	task [dreg:s9], $0x5FFFF  }
0xae: {  	[dreg:$0x1] =	wrdreg $0xFFFFFFFF  }
0xaf: {  	[dreg:$0x0] =	wrdreg $0x60  }
0xb0: {  	[dreg:$0x2] =	wrdreg s2  }
0xb1: {  	[dreg:$0x3] =	wrdreg s18  }
0xb2: {  	[dreg:$0x4] =	wrdreg s24  }
0xb3: {  	[dreg:$0x5] =	wrdreg s4  }
0xb4: {  	[dreg:$0x6] =	wrdreg $0x9  }
0xb5: {  	_ =	task.clear_ibuf [dreg:s9], $0x7FFFF;
	_ =	strace $0x90000046  }
0xb6: {  	s29 =	simm.s32 $0x9;
	_ =	strace $0x80000048  }
0xb7: {  	_ =	swait.ge [sflag:s29], $0x1  }
0xb8: {  	[sflag:s29] =	ssyncadd.s32 $0xFFFFFFFF  }
0xb9: {  	_ =	strace $0x90000048  }
0xba: {  	_ =	sfence  }
0xbb: {  	s30 =	sld [smem:$0x0];
	_ =	sdelay $0x2  }
0xbc: {  	s31 =	sshll.u32 s1, $0xD;
	s1 =	sshrl.u32 s1, $0x2  }
0xbd: {  	s3 =	sand.u32 $0x4000, s31;
	s1 =	sadd.s32 s1, s30  }
0xbe: {  	s0 =	sor.u32 s3, s0;
	s1 =	sshll.u32 s1, $0x11  }
0xbf: {  	s0 =	sor.u32 s1, s0  }
0xc0: {  	s0 =	sadd.s32 $0x8F2B, s0  }
0xc1: {  	[sflag:s0] =	ssyncadd.remote.s32 $0x1  }
0xc2: {  	_ =	sfence.sel $0xFFFF  }
0xc3: {  	[dreg:$0x0] =	wrdreg $0xFFFFFFFF;
	(pc) =	sbr.abs _section_cstart, $3  }
0xc4: {  	[dreg:$0x1] =	wrdreg $0xFFFFFFFF  }
0xc5: {  	_ =	task.clear_ibuf [dreg:s9], $0x2FFFF;
	_ =	strace $0x9FFFFFFF  }
0xc6: {  	(tm) =	ssettm $0x7FFFFFFF  }
0xc7: {  	_ =	shalt  }
tec
execute0_lowered:
.L_overlay_start_1:
0x0: {  	(tag) =	ssettag $0x1  }
0x1: {  	s5 =	rddreg [dreg:$0x0]  }
0x2: {  	s6 =	rddreg [dreg:$0x1]  }
0x3: {  	s4 =	rddreg [dreg:$0x2]  }
0x4: {  	s7 =	rddreg [dreg:$0x3]  }
0x5: {  	s0 =	rddreg [dreg:$0x4];
	s3 =	srdreg.scid  }
0x6: {  	s1 =	stileid.u32;
	s2 =	simm.s32 $0x0;
	s13 =	simm.s32 $0x2880  }
0x7: {  	s14 =	simm.s32 $0x0;
	s8 =	sand.u32 $0x1, s3;
	s30 =	sshll.u32 s1, $0x1  }
0x8: {  	[smem:$0x7FF] =	sst s2;
	s3 =	sadd.s32 $0x400, s4;
	s9 =	sor.u32 s8, s30  }
0x9: {  	s4 =	sadd.s32 $0x600, s4;
	s8 =	ssub.s32 $0x2, s8;
	s10 =	smul.u32 $0x18800, s9  }
0xa: {  	_ =	strace $0x80000047;
	s11 =	smul.u32 $0x188, s9;
	s12 =	sshrl.u32 s8, $0x1  }
0xb: {  	s9 =	smul.u32 $0x3100, s9;
	s12 =	ssub.s32 s8, s12;
	s10 =	sshrl.u32 s10, $0x3  }
0xc: {  	s5 =	sadd.s32 s5, s11;
	s6 =	sadd.s32 s6, s11;
	s11 =	simm.s32 $0x1880  }
0xd: {  	v0 =	vlaneseq.u32;
	s31 =	sadd.s32 s7, s10;
	s7 =	sadd.s32 s7, s9;
	s9 =	smax.u32 s12, $0x1  }
0xe: {  	v0 =	vmul.u32 $0x20, v0;
	s10 =	simm.s32 $0x1;
	s12 =	simm.s32 $0x2080;
	s8 =	sadd.s32 $0x1880, s31  }
.LBB2_1:
0xf: {  	[tilespmem:s2], [sflag:$0x1] =	stream.linear.gather [hbm4b:s5+s2], $0xC40, $0x38;
	[tilespmem:$0xEC80] =	vst v63  }
0x10: {  	_ =	swait.ge [sflag:s10], $0xC40  }
0x11: {  	[sflag:s10] =	ssyncset.done $0x0  }
0x12: {  	s15 =	simm.s32 $0xC40;
	[sflag:s10] =	ssyncadd.s32 $0xFFFFF3C0  }
0x13: {  	[tilespmem:s15], [sflag:$0x1] =	stream.linear.gather [hbm4b:s6+s2], $0xC40, $0x38;
	[tilespmem:$0xEC80] =	vst v63  }
0x14: {  	_ =	swait.ge [sflag:s10], $0xC40  }
0x15: {  	[sflag:s10] =	ssyncset.done $0x0  }
0x16: {  	[sflag:s10] =	ssyncadd.s32 $0xFFFFF3C0  }
0x17: {  	[tilespmem:s11], [sflag:$0x1] =	stream.linear.gather [hbm4b:s3+s2], $0x800, $0x38;
	[tilespmem:$0xEC80] =	vst v63  }
0x18: {  	_ =	swait.ge [sflag:s10], $0x800  }
0x19: {  	[sflag:s10] =	ssyncset.done $0x0  }
0x1a: {  	[sflag:s10] =	ssyncadd.s32 $0xFFFFF800  }
0x1b: {  	[tilespmem:s12], [sflag:$0x1] =	stream.linear.gather [hbm4b:s4+s2], $0x800, $0x38;
	[tilespmem:$0xEC80] =	vst v63  }
0x1c: {  	_ =	swait.ge [sflag:s10], $0x800  }
0x1d: {  	[sflag:s10] =	ssyncset.done $0x0  }
0x1e: {  	[sflag:s10] =	ssyncadd.s32 $0xFFFFF800  }
0x1f: {  	v1 =	vld [tilespmem:s2+$0x0];
	_ =	sdelay $0x4  }
0x20: {  	v1 =	vshll.u32 v1, $0x4  }
0x21: {  	v2 =	vld [tilespmem:s15+$0x0];
	_ =	sdelay $0x1  }
0x22: {  	v3 =	vmov s2  }
0x23: {  	v3 =	vshll.u32 v3, $0x5  }
0x24: {  	v3 =	vor.u32 v0, v3;
	v4 =	vld.idx.msk [tilespmem:v1+s11+$0x0], $0xffff  }
0x25: {  	v2 =	vshll.u32 v2, $0x4;
	_ =	sdelay $0x3  }
0x26: {  	[tilespmem:v3+s13+$0x0] =	vst.idx.msk $0xffff, v4  }
0x27: {  	v5 =	vor.u32 $0x10, v3;
	v4 =	vld.idx.msk [tilespmem:v2+s12+$0x0], $0xffff  }
0x28: {  	v6 =	vor.u32 $0x1, v1;
	_ =	sdelay $0x3  }
0x29: {  	[tilespmem:v5+s13+$0x0] =	vst.idx.msk $0xffff, v4  }
0x2a: {  	v63 =	vor.u32 $0x1, v3;
	v4 =	vld.idx.msk [tilespmem:v6+s11+$0x0], $0xffff  }
0x2b: {  	v9 =	vor.u32 $0x1, v2;
	_ =	sdelay $0x3  }
0x2c: {  	[tilespmem:v63+s13+$0x0] =	vst.idx.msk $0xffff, v4  }
0x2d: {  	v10 =	vor.u32 $0x11, v3;
	v4 =	vld.idx.msk [tilespmem:v9+s12+$0x0], $0xffff  }
0x2e: {  	v11 =	vor.u32 $0x2, v1;
	_ =	sdelay $0x3  }
0x2f: {  	[tilespmem:v10+s13+$0x0] =	vst.idx.msk $0xffff, v4  }
0x30: {  	v12 =	vor.u32 $0x2, v3;
	v4 =	vld.idx.msk [tilespmem:v11+s11+$0x0], $0xffff  }
0x31: {  	v13 =	vor.u32 $0x2, v2;
	_ =	sdelay $0x3  }
0x32: {  	[tilespmem:v12+s13+$0x0] =	vst.idx.msk $0xffff, v4  }
0x33: {  	v14 =	vor.u32 $0x12, v3;
	v4 =	vld.idx.msk [tilespmem:v13+s12+$0x0], $0xffff  }
0x34: {  	v15 =	vor.u32 $0x3, v1;
	_ =	sdelay $0x3  }
0x35: {  	[tilespmem:v14+s13+$0x0] =	vst.idx.msk $0xffff, v4  }
0x36: {  	v16 =	vor.u32 $0x3, v3;
	v4 =	vld.idx.msk [tilespmem:v15+s11+$0x0], $0xffff  }
0x37: {  	v17 =	vor.u32 $0x3, v2;
	_ =	sdelay $0x3  }
0x38: {  	[tilespmem:v16+s13+$0x0] =	vst.idx.msk $0xffff, v4  }
0x39: {  	v18 =	vor.u32 $0x13, v3;
	v4 =	vld.idx.msk [tilespmem:v17+s12+$0x0], $0xffff  }
0x3a: {  	v19 =	vor.u32 $0x4, v1;
	_ =	sdelay $0x3  }
0x3b: {  	[tilespmem:v18+s13+$0x0] =	vst.idx.msk $0xffff, v4  }
0x3c: {  	v20 =	vor.u32 $0x4, v3;
	v4 =	vld.idx.msk [tilespmem:v19+s11+$0x0], $0xffff  }
0x3d: {  	v21 =	vor.u32 $0x4, v2;
	_ =	sdelay $0x3  }
0x3e: {  	[tilespmem:v20+s13+$0x0] =	vst.idx.msk $0xffff, v4  }
0x3f: {  	v22 =	vor.u32 $0x14, v3;
	v4 =	vld.idx.msk [tilespmem:v21+s12+$0x0], $0xffff  }
0x40: {  	v23 =	vor.u32 $0x5, v1;
	_ =	sdelay $0x3  }
0x41: {  	[tilespmem:v22+s13+$0x0] =	vst.idx.msk $0xffff, v4  }
0x42: {  	v24 =	vor.u32 $0x5, v3;
	v4 =	vld.idx.msk [tilespmem:v23+s11+$0x0], $0xffff  }
0x43: {  	v25 =	vor.u32 $0x5, v2;
	_ =	sdelay $0x3  }
0x44: {  	[tilespmem:v24+s13+$0x0] =	vst.idx.msk $0xffff, v4  }
0x45: {  	v26 =	vor.u32 $0x15, v3;
	v4 =	vld.idx.msk [tilespmem:v25+s12+$0x0], $0xffff  }
0x46: {  	v27 =	vor.u32 $0x6, v1;
	_ =	sdelay $0x3  }
0x47: {  	[tilespmem:v26+s13+$0x0] =	vst.idx.msk $0xffff, v4  }
0x48: {  	v28 =	vor.u32 $0x6, v3;
	v4 =	vld.idx.msk [tilespmem:v27+s11+$0x0], $0xffff  }
0x49: {  	v29 =	vor.u32 $0x6, v2;
	_ =	sdelay $0x3  }
0x4a: {  	[tilespmem:v28+s13+$0x0] =	vst.idx.msk $0xffff, v4  }
0x4b: {  	v30 =	vor.u32 $0x16, v3;
	v4 =	vld.idx.msk [tilespmem:v29+s12+$0x0], $0xffff  }
0x4c: {  	v31 =	vor.u32 $0x7, v1;
	_ =	sdelay $0x3  }
0x4d: {  	[tilespmem:v30+s13+$0x0] =	vst.idx.msk $0xffff, v4  }
0x4e: {  	v32 =	vor.u32 $0x7, v3;
	v4 =	vld.idx.msk [tilespmem:v31+s11+$0x0], $0xffff  }
0x4f: {  	v33 =	vor.u32 $0x7, v2;
	_ =	sdelay $0x3  }
0x50: {  	[tilespmem:v32+s13+$0x0] =	vst.idx.msk $0xffff, v4  }
0x51: {  	v34 =	vor.u32 $0x17, v3;
	v4 =	vld.idx.msk [tilespmem:v33+s12+$0x0], $0xffff  }
0x52: {  	v35 =	vor.u32 $0x8, v1;
	_ =	sdelay $0x3  }
0x53: {  	[tilespmem:v34+s13+$0x0] =	vst.idx.msk $0xffff, v4  }
0x54: {  	v36 =	vor.u32 $0x8, v3;
	v4 =	vld.idx.msk [tilespmem:v35+s11+$0x0], $0xffff  }
0x55: {  	v37 =	vor.u32 $0x8, v2;
	_ =	sdelay $0x3  }
0x56: {  	[tilespmem:v36+s13+$0x0] =	vst.idx.msk $0xffff, v4  }
0x57: {  	v38 =	vor.u32 $0x18, v3;
	v4 =	vld.idx.msk [tilespmem:v37+s12+$0x0], $0xffff  }
0x58: {  	v39 =	vor.u32 $0x9, v1;
	_ =	sdelay $0x3  }
0x59: {  	[tilespmem:v38+s13+$0x0] =	vst.idx.msk $0xffff, v4  }
0x5a: {  	v40 =	vor.u32 $0x9, v3;
	v4 =	vld.idx.msk [tilespmem:v39+s11+$0x0], $0xffff  }
0x5b: {  	v41 =	vor.u32 $0x9, v2;
	_ =	sdelay $0x3  }
0x5c: {  	[tilespmem:v40+s13+$0x0] =	vst.idx.msk $0xffff, v4  }
0x5d: {  	v42 =	vor.u32 $0x19, v3;
	v4 =	vld.idx.msk [tilespmem:v41+s12+$0x0], $0xffff  }
0x5e: {  	v43 =	vor.u32 $0xA, v1;
	_ =	sdelay $0x3  }
0x5f: {  	[tilespmem:v42+s13+$0x0] =	vst.idx.msk $0xffff, v4  }
0x60: {  	v44 =	vor.u32 $0xA, v3;
	v4 =	vld.idx.msk [tilespmem:v43+s11+$0x0], $0xffff  }
0x61: {  	v45 =	vor.u32 $0xA, v2;
	_ =	sdelay $0x3  }
0x62: {  	[tilespmem:v44+s13+$0x0] =	vst.idx.msk $0xffff, v4  }
0x63: {  	v46 =	vor.u32 $0x1A, v3;
	v4 =	vld.idx.msk [tilespmem:v45+s12+$0x0], $0xffff  }
0x64: {  	v47 =	vor.u32 $0xB, v1;
	_ =	sdelay $0x3  }
0x65: {  	[tilespmem:v46+s13+$0x0] =	vst.idx.msk $0xffff, v4  }
0x66: {  	v48 =	vor.u32 $0xB, v3;
	v4 =	vld.idx.msk [tilespmem:v47+s11+$0x0], $0xffff  }
0x67: {  	v49 =	vor.u32 $0xB, v2;
	_ =	sdelay $0x3  }
0x68: {  	[tilespmem:v48+s13+$0x0] =	vst.idx.msk $0xffff, v4  }
0x69: {  	v50 =	vor.u32 $0x1B, v3;
	v4 =	vld.idx.msk [tilespmem:v49+s12+$0x0], $0xffff  }
0x6a: {  	v51 =	vor.u32 $0xC, v1;
	_ =	sdelay $0x3  }
0x6b: {  	[tilespmem:v50+s13+$0x0] =	vst.idx.msk $0xffff, v4  }
0x6c: {  	v52 =	vor.u32 $0xC, v3;
	v4 =	vld.idx.msk [tilespmem:v51+s11+$0x0], $0xffff  }
0x6d: {  	v53 =	vor.u32 $0xC, v2;
	_ =	sdelay $0x3  }
0x6e: {  	[tilespmem:v52+s13+$0x0] =	vst.idx.msk $0xffff, v4  }
0x6f: {  	v54 =	vor.u32 $0x1C, v3;
	v4 =	vld.idx.msk [tilespmem:v53+s12+$0x0], $0xffff  }
0x70: {  	v55 =	vor.u32 $0xD, v1;
	_ =	sdelay $0x3  }
0x71: {  	[tilespmem:v54+s13+$0x0] =	vst.idx.msk $0xffff, v4  }
0x72: {  	v56 =	vor.u32 $0xD, v3;
	v4 =	vld.idx.msk [tilespmem:v55+s11+$0x0], $0xffff  }
0x73: {  	v57 =	vor.u32 $0xD, v2;
	_ =	sdelay $0x3  }
0x74: {  	[tilespmem:v56+s13+$0x0] =	vst.idx.msk $0xffff, v4  }
0x75: {  	v58 =	vor.u32 $0x1D, v3;
	v4 =	vld.idx.msk [tilespmem:v57+s12+$0x0], $0xffff  }
0x76: {  	v59 =	vor.u32 $0xE, v1;
	_ =	sdelay $0x3  }
0x77: {  	[tilespmem:v58+s13+$0x0] =	vst.idx.msk $0xffff, v4  }
0x78: {  	v60 =	vor.u32 $0xE, v3;
	v4 =	vld.idx.msk [tilespmem:v59+s11+$0x0], $0xffff  }
0x79: {  	v61 =	vor.u32 $0xE, v2;
	_ =	sdelay $0x3  }
0x7a: {  	[tilespmem:v60+s13+$0x0] =	vst.idx.msk $0xffff, v4  }
0x7b: {  	v62 =	vor.u32 $0x1E, v3;
	v4 =	vld.idx.msk [tilespmem:v61+s12+$0x0], $0xffff  }
0x7c: {  	v1 =	vor.u32 $0xF, v1;
	_ =	sdelay $0x3  }
0x7d: {  	[tilespmem:v62+s13+$0x0] =	vst.idx.msk $0xffff, v4  }
0x7e: {  	v63 =	vor.u32 $0xF, v3;
	v1 =	vld.idx.msk [tilespmem:v1+s11+$0x0], $0xffff  }
0x7f: {  	v2 =	vor.u32 $0xF, v2;
	_ =	sdelay $0x3  }
0x80: {  	[tilespmem:v63+s13+$0x0] =	vst.idx.msk $0xffff, v1  }
0x81: {  	s16 =	simm.s32 $0x10;
	s17 =	simm.s32 $0x0;
	v1 =	vor.u32 $0x1F, v3;
	v2 =	vld.idx.msk [tilespmem:v2+s12+$0x0], $0xffff  }
.LBB2_2:
0x82: {  	_ =	sdelay $0x3  }
0x83: {  	p0 =	sne.s32 s16, $0x610;
	s17 =	sadd.s32 $0x10, s17;
	s15 =	sadd.s32 $0x10, s15;
	[tilespmem:v1+s13+$0x0] =	vst.idx.msk $0xffff, v2  }
0x84: {  	s18 =	smov.u32 s16;
	s16 =	sadd.s32 $0x10, s16;
	v1 =	vld [tilespmem:s17+$0x0];
	_ =	sdelay $0x4  }
0x85: {  	v2 =	vshll.u32 v1, $0x4;
	_ =	sdelay $0x1  }
0x86: {  	v3 =	vld [tilespmem:s15+$0x0];
	_ =	sdelay $0x1  }
0x87: {  	v1 =	vmov s18  }
0x88: {  	v1 =	vshll.u32 v1, $0x5;
	v4 =	vld.idx.msk [tilespmem:v2+s11+$0x0], $0xffff  }
0x89: {  	v1 =	vor.u32 v0, v1  }
0x8a: {  	v3 =	vshll.u32 v3, $0x4;
	_ =	sdelay $0x3  }
0x8b: {  	[tilespmem:v1+s13+$0x0] =	vst.idx.msk $0xffff, v4  }
0x8c: {  	v4 =	vld.idx.msk [tilespmem:v3+s12+$0x0], $0xffff  }
0x8d: {  	v5 =	vor.u32 $0x10, v1  }
0x8e: {  	v6 =	vor.u32 $0x1, v2;
	_ =	sdelay $0x3  }
0x8f: {  	[tilespmem:v5+s13+$0x0] =	vst.idx.msk $0xffff, v4  }
0x90: {  	v4 =	vld.idx.msk [tilespmem:v6+s11+$0x0], $0xffff  }
0x91: {  	v5 =	vor.u32 $0x1, v1  }
0x92: {  	v6 =	vor.u32 $0x1, v3;
	_ =	sdelay $0x3  }
0x93: {  	[tilespmem:v5+s13+$0x0] =	vst.idx.msk $0xffff, v4  }
0x94: {  	v4 =	vld.idx.msk [tilespmem:v6+s12+$0x0], $0xffff  }
0x95: {  	v5 =	vor.u32 $0x11, v1  }
0x96: {  	v6 =	vor.u32 $0x2, v2;
	_ =	sdelay $0x3  }
0x97: {  	[tilespmem:v5+s13+$0x0] =	vst.idx.msk $0xffff, v4  }
0x98: {  	v4 =	vld.idx.msk [tilespmem:v6+s11+$0x0], $0xffff  }
0x99: {  	v5 =	vor.u32 $0x2, v1  }
0x9a: {  	v6 =	vor.u32 $0x2, v3;
	_ =	sdelay $0x3  }
0x9b: {  	[tilespmem:v5+s13+$0x0] =	vst.idx.msk $0xffff, v4  }
0x9c: {  	v4 =	vld.idx.msk [tilespmem:v6+s12+$0x0], $0xffff  }
0x9d: {  	v5 =	vor.u32 $0x12, v1  }
0x9e: {  	v6 =	vor.u32 $0x3, v2;
	_ =	sdelay $0x3  }
0x9f: {  	[tilespmem:v5+s13+$0x0] =	vst.idx.msk $0xffff, v4  }
0xa0: {  	v4 =	vld.idx.msk [tilespmem:v6+s11+$0x0], $0xffff  }
0xa1: {  	v5 =	vor.u32 $0x3, v1  }
0xa2: {  	v6 =	vor.u32 $0x3, v3;
	_ =	sdelay $0x3  }
0xa3: {  	[tilespmem:v5+s13+$0x0] =	vst.idx.msk $0xffff, v4  }
0xa4: {  	v4 =	vld.idx.msk [tilespmem:v6+s12+$0x0], $0xffff  }
0xa5: {  	v5 =	vor.u32 $0x13, v1  }
0xa6: {  	v6 =	vor.u32 $0x4, v2;
	_ =	sdelay $0x3  }
0xa7: {  	[tilespmem:v5+s13+$0x0] =	vst.idx.msk $0xffff, v4  }
0xa8: {  	v4 =	vld.idx.msk [tilespmem:v6+s11+$0x0], $0xffff  }
0xa9: {  	v5 =	vor.u32 $0x4, v1  }
0xaa: {  	v6 =	vor.u32 $0x4, v3;
	_ =	sdelay $0x3  }
0xab: {  	[tilespmem:v5+s13+$0x0] =	vst.idx.msk $0xffff, v4  }
0xac: {  	v4 =	vld.idx.msk [tilespmem:v6+s12+$0x0], $0xffff  }
0xad: {  	v5 =	vor.u32 $0x14, v1  }
0xae: {  	v6 =	vor.u32 $0x5, v2;
	_ =	sdelay $0x3  }
0xaf: {  	[tilespmem:v5+s13+$0x0] =	vst.idx.msk $0xffff, v4  }
0xb0: {  	v4 =	vld.idx.msk [tilespmem:v6+s11+$0x0], $0xffff  }
0xb1: {  	v5 =	vor.u32 $0x5, v1  }
0xb2: {  	v6 =	vor.u32 $0x5, v3;
	_ =	sdelay $0x3  }
0xb3: {  	[tilespmem:v5+s13+$0x0] =	vst.idx.msk $0xffff, v4  }
0xb4: {  	v4 =	vld.idx.msk [tilespmem:v6+s12+$0x0], $0xffff  }
0xb5: {  	v5 =	vor.u32 $0x15, v1  }
0xb6: {  	v6 =	vor.u32 $0x6, v2;
	_ =	sdelay $0x3  }
0xb7: {  	[tilespmem:v5+s13+$0x0] =	vst.idx.msk $0xffff, v4  }
0xb8: {  	v4 =	vld.idx.msk [tilespmem:v6+s11+$0x0], $0xffff  }
0xb9: {  	v5 =	vor.u32 $0x6, v1  }
0xba: {  	v6 =	vor.u32 $0x6, v3;
	_ =	sdelay $0x3  }
0xbb: {  	[tilespmem:v5+s13+$0x0] =	vst.idx.msk $0xffff, v4  }
0xbc: {  	v4 =	vld.idx.msk [tilespmem:v6+s12+$0x0], $0xffff  }
0xbd: {  	v5 =	vor.u32 $0x16, v1  }
0xbe: {  	v6 =	vor.u32 $0x7, v2;
	_ =	sdelay $0x3  }
0xbf: {  	[tilespmem:v5+s13+$0x0] =	vst.idx.msk $0xffff, v4  }
0xc0: {  	v4 =	vld.idx.msk [tilespmem:v6+s11+$0x0], $0xffff  }
0xc1: {  	v5 =	vor.u32 $0x7, v1  }
0xc2: {  	v6 =	vor.u32 $0x7, v3;
	_ =	sdelay $0x3  }
0xc3: {  	[tilespmem:v5+s13+$0x0] =	vst.idx.msk $0xffff, v4  }
0xc4: {  	v4 =	vld.idx.msk [tilespmem:v6+s12+$0x0], $0xffff  }
0xc5: {  	v5 =	vor.u32 $0x17, v1  }
0xc6: {  	v6 =	vor.u32 $0x8, v2;
	_ =	sdelay $0x3  }
0xc7: {  	[tilespmem:v5+s13+$0x0] =	vst.idx.msk $0xffff, v4  }
0xc8: {  	v4 =	vld.idx.msk [tilespmem:v6+s11+$0x0], $0xffff  }
0xc9: {  	v5 =	vor.u32 $0x8, v1  }
0xca: {  	v6 =	vor.u32 $0x8, v3;
	_ =	sdelay $0x3  }
0xcb: {  	[tilespmem:v5+s13+$0x0] =	vst.idx.msk $0xffff, v4  }
0xcc: {  	v4 =	vld.idx.msk [tilespmem:v6+s12+$0x0], $0xffff  }
0xcd: {  	v5 =	vor.u32 $0x18, v1  }
0xce: {  	v6 =	vor.u32 $0x9, v2;
	_ =	sdelay $0x3  }
0xcf: {  	[tilespmem:v5+s13+$0x0] =	vst.idx.msk $0xffff, v4  }
0xd0: {  	v4 =	vld.idx.msk [tilespmem:v6+s11+$0x0], $0xffff  }
0xd1: {  	v5 =	vor.u32 $0x9, v1  }
0xd2: {  	v6 =	vor.u32 $0x9, v3;
	_ =	sdelay $0x3  }
0xd3: {  	[tilespmem:v5+s13+$0x0] =	vst.idx.msk $0xffff, v4  }
0xd4: {  	v4 =	vld.idx.msk [tilespmem:v6+s12+$0x0], $0xffff  }
0xd5: {  	v5 =	vor.u32 $0x19, v1  }
0xd6: {  	v6 =	vor.u32 $0xA, v2;
	_ =	sdelay $0x3  }
0xd7: {  	[tilespmem:v5+s13+$0x0] =	vst.idx.msk $0xffff, v4  }
0xd8: {  	v4 =	vld.idx.msk [tilespmem:v6+s11+$0x0], $0xffff  }
0xd9: {  	v5 =	vor.u32 $0xA, v1  }
0xda: {  	v6 =	vor.u32 $0xA, v3;
	_ =	sdelay $0x3  }
0xdb: {  	[tilespmem:v5+s13+$0x0] =	vst.idx.msk $0xffff, v4  }
0xdc: {  	v4 =	vld.idx.msk [tilespmem:v6+s12+$0x0], $0xffff  }
0xdd: {  	v5 =	vor.u32 $0x1A, v1  }
0xde: {  	v6 =	vor.u32 $0xB, v2;
	_ =	sdelay $0x3  }
0xdf: {  	[tilespmem:v5+s13+$0x0] =	vst.idx.msk $0xffff, v4  }
0xe0: {  	v4 =	vld.idx.msk [tilespmem:v6+s11+$0x0], $0xffff  }
0xe1: {  	v5 =	vor.u32 $0xB, v1  }
0xe2: {  	v6 =	vor.u32 $0xB, v3;
	_ =	sdelay $0x3  }
0xe3: {  	[tilespmem:v5+s13+$0x0] =	vst.idx.msk $0xffff, v4  }
0xe4: {  	v4 =	vld.idx.msk [tilespmem:v6+s12+$0x0], $0xffff  }
0xe5: {  	v5 =	vor.u32 $0x1B, v1  }
0xe6: {  	v6 =	vor.u32 $0xC, v2;
	_ =	sdelay $0x3  }
0xe7: {  	[tilespmem:v5+s13+$0x0] =	vst.idx.msk $0xffff, v4  }
0xe8: {  	v4 =	vld.idx.msk [tilespmem:v6+s11+$0x0], $0xffff  }
0xe9: {  	v5 =	vor.u32 $0xC, v1  }
0xea: {  	v6 =	vor.u32 $0xC, v3;
	_ =	sdelay $0x3  }
0xeb: {  	[tilespmem:v5+s13+$0x0] =	vst.idx.msk $0xffff, v4  }
0xec: {  	v4 =	vld.idx.msk [tilespmem:v6+s12+$0x0], $0xffff  }
0xed: {  	v5 =	vor.u32 $0x1C, v1  }
0xee: {  	v6 =	vor.u32 $0xD, v2;
	_ =	sdelay $0x3  }
0xef: {  	[tilespmem:v5+s13+$0x0] =	vst.idx.msk $0xffff, v4  }
0xf0: {  	v4 =	vld.idx.msk [tilespmem:v6+s11+$0x0], $0xffff  }
0xf1: {  	v5 =	vor.u32 $0xD, v1  }
0xf2: {  	v6 =	vor.u32 $0xD, v3;
	_ =	sdelay $0x3  }
0xf3: {  	[tilespmem:v5+s13+$0x0] =	vst.idx.msk $0xffff, v4  }
0xf4: {  	v4 =	vld.idx.msk [tilespmem:v6+s12+$0x0], $0xffff  }
0xf5: {  	v5 =	vor.u32 $0x1D, v1  }
0xf6: {  	v6 =	vor.u32 $0xE, v2;
	_ =	sdelay $0x3  }
0xf7: {  	[tilespmem:v5+s13+$0x0] =	vst.idx.msk $0xffff, v4  }
0xf8: {  	v4 =	vld.idx.msk [tilespmem:v6+s11+$0x0], $0xffff  }
0xf9: {  	v5 =	vor.u32 $0xE, v1  }
0xfa: {  	v6 =	vor.u32 $0xE, v3;
	_ =	sdelay $0x3  }
0xfb: {  	[tilespmem:v5+s13+$0x0] =	vst.idx.msk $0xffff, v4  }
0xfc: {  	v4 =	vld.idx.msk [tilespmem:v6+s12+$0x0], $0xffff  }
0xfd: {  	v5 =	vor.u32 $0x1E, v1  }
0xfe: {  	v2 =	vor.u32 $0xF, v2;
	_ =	sdelay $0x3  }
0xff: {  	[tilespmem:v5+s13+$0x0] =	vst.idx.msk $0xffff, v4  }
0x100: {  	v2 =	vld.idx.msk [tilespmem:v2+s11+$0x0], $0xffff  }
0x101: {  	v4 =	vor.u32 $0xF, v1  }
0x102: {  	v3 =	vor.u32 $0xF, v3;
	_ =	sdelay $0x1  }
.Ltmp0:
0x103: {  	(pc) =	sbr.rel @p0 .LBB2_2-.Ltmp0, $4  }
0x104: {  	_ = 	snop  }
0x105: {  	[tilespmem:v4+s13+$0x0] =	vst.idx.msk $0xffff, v2  }
0x106: {  	v2 =	vld.idx.msk [tilespmem:v3+s12+$0x0], $0xffff  }
0x107: {  	v1 =	vor.u32 $0x1F, v1  }
0x108: {  	_ =	sdelay $0x3  }
0x109: {  	s17 =	simm.s32 $0x0;
	[tilespmem:v1+s13+$0x0] =	vst.idx.msk $0xffff, v2  }
0x10a: {  	[hbm4b:s7+s17] =	stream.linear.scatter [tilespmem:s13], [sflag:$0x1], $0xC400, $0x38;
	[tilespmem:$0xEC80] =	vst v63  }
0x10b: {  	_ =	swait.ge [sflag:s10], $0xC400  }
0x10c: {  	[sflag:s10] =	ssyncset.done $0x0  }
0x10d: {  	s15 =	simm.s32 $0x620;
	[sflag:s10] =	ssyncadd.s32 $0xFFFF3C00  }
0x10e: {  	v1 =	vld [tilespmem:s15+$0x0];
	_ =	sdelay $0x4  }
0x10f: {  	s16 =	simm.s32 $0x1260;
	v1 =	vshll.u32 v1, $0x4  }
0x110: {  	v2 =	vld [tilespmem:s16+$0x0];
	_ =	sdelay $0x1  }
0x111: {  	v3 =	vmov s17  }
0x112: {  	v3 =	vshll.u32 v3, $0x5  }
0x113: {  	v3 =	vor.u32 v0, v3;
	v4 =	vld.idx.msk [tilespmem:v1+s11+$0x0], $0xffff  }
0x114: {  	v2 =	vshll.u32 v2, $0x4;
	_ =	sdelay $0x3  }
0x115: {  	[tilespmem:v3+s13+$0x0] =	vst.idx.msk $0xffff, v4  }
0x116: {  	v5 =	vor.u32 $0x10, v3;
	v4 =	vld.idx.msk [tilespmem:v2+s12+$0x0], $0xffff  }
0x117: {  	v6 =	vor.u32 $0x1, v1;
	_ =	sdelay $0x3  }
0x118: {  	[tilespmem:v5+s13+$0x0] =	vst.idx.msk $0xffff, v4  }
0x119: {  	v63 =	vor.u32 $0x1, v3;
	v4 =	vld.idx.msk [tilespmem:v6+s11+$0x0], $0xffff  }
0x11a: {  	v9 =	vor.u32 $0x1, v2;
	_ =	sdelay $0x3  }
0x11b: {  	[tilespmem:v63+s13+$0x0] =	vst.idx.msk $0xffff, v4  }
0x11c: {  	v10 =	vor.u32 $0x11, v3;
	v4 =	vld.idx.msk [tilespmem:v9+s12+$0x0], $0xffff  }
0x11d: {  	v11 =	vor.u32 $0x2, v1;
	_ =	sdelay $0x3  }
0x11e: {  	[tilespmem:v10+s13+$0x0] =	vst.idx.msk $0xffff, v4  }
0x11f: {  	v12 =	vor.u32 $0x2, v3;
	v4 =	vld.idx.msk [tilespmem:v11+s11+$0x0], $0xffff  }
0x120: {  	v13 =	vor.u32 $0x2, v2;
	_ =	sdelay $0x3  }
0x121: {  	[tilespmem:v12+s13+$0x0] =	vst.idx.msk $0xffff, v4  }
0x122: {  	v14 =	vor.u32 $0x12, v3;
	v4 =	vld.idx.msk [tilespmem:v13+s12+$0x0], $0xffff  }
0x123: {  	v15 =	vor.u32 $0x3, v1;
	_ =	sdelay $0x3  }
0x124: {  	[tilespmem:v14+s13+$0x0] =	vst.idx.msk $0xffff, v4  }
0x125: {  	v16 =	vor.u32 $0x3, v3;
	v4 =	vld.idx.msk [tilespmem:v15+s11+$0x0], $0xffff  }
0x126: {  	v17 =	vor.u32 $0x3, v2;
	_ =	sdelay $0x3  }
0x127: {  	[tilespmem:v16+s13+$0x0] =	vst.idx.msk $0xffff, v4  }
0x128: {  	v18 =	vor.u32 $0x13, v3;
	v4 =	vld.idx.msk [tilespmem:v17+s12+$0x0], $0xffff  }
0x129: {  	v19 =	vor.u32 $0x4, v1;
	_ =	sdelay $0x3  }
0x12a: {  	[tilespmem:v18+s13+$0x0] =	vst.idx.msk $0xffff, v4  }
0x12b: {  	v20 =	vor.u32 $0x4, v3;
	v4 =	vld.idx.msk [tilespmem:v19+s11+$0x0], $0xffff  }
0x12c: {  	v21 =	vor.u32 $0x4, v2;
	_ =	sdelay $0x3  }
0x12d: {  	[tilespmem:v20+s13+$0x0] =	vst.idx.msk $0xffff, v4  }
0x12e: {  	v22 =	vor.u32 $0x14, v3;
	v4 =	vld.idx.msk [tilespmem:v21+s12+$0x0], $0xffff  }
0x12f: {  	v23 =	vor.u32 $0x5, v1;
	_ =	sdelay $0x3  }
0x130: {  	[tilespmem:v22+s13+$0x0] =	vst.idx.msk $0xffff, v4  }
0x131: {  	v24 =	vor.u32 $0x5, v3;
	v4 =	vld.idx.msk [tilespmem:v23+s11+$0x0], $0xffff  }
0x132: {  	v25 =	vor.u32 $0x5, v2;
	_ =	sdelay $0x3  }
0x133: {  	[tilespmem:v24+s13+$0x0] =	vst.idx.msk $0xffff, v4  }
0x134: {  	v26 =	vor.u32 $0x15, v3;
	v4 =	vld.idx.msk [tilespmem:v25+s12+$0x0], $0xffff  }
0x135: {  	v27 =	vor.u32 $0x6, v1;
	_ =	sdelay $0x3  }
0x136: {  	[tilespmem:v26+s13+$0x0] =	vst.idx.msk $0xffff, v4  }
0x137: {  	v28 =	vor.u32 $0x6, v3;
	v4 =	vld.idx.msk [tilespmem:v27+s11+$0x0], $0xffff  }
0x138: {  	v29 =	vor.u32 $0x6, v2;
	_ =	sdelay $0x3  }
0x139: {  	[tilespmem:v28+s13+$0x0] =	vst.idx.msk $0xffff, v4  }
0x13a: {  	v30 =	vor.u32 $0x16, v3;
	v4 =	vld.idx.msk [tilespmem:v29+s12+$0x0], $0xffff  }
0x13b: {  	v31 =	vor.u32 $0x7, v1;
	_ =	sdelay $0x3  }
0x13c: {  	[tilespmem:v30+s13+$0x0] =	vst.idx.msk $0xffff, v4  }
0x13d: {  	v32 =	vor.u32 $0x7, v3;
	v4 =	vld.idx.msk [tilespmem:v31+s11+$0x0], $0xffff  }
0x13e: {  	v33 =	vor.u32 $0x7, v2;
	_ =	sdelay $0x3  }
0x13f: {  	[tilespmem:v32+s13+$0x0] =	vst.idx.msk $0xffff, v4  }
0x140: {  	v34 =	vor.u32 $0x17, v3;
	v4 =	vld.idx.msk [tilespmem:v33+s12+$0x0], $0xffff  }
0x141: {  	v35 =	vor.u32 $0x8, v1;
	_ =	sdelay $0x3  }
0x142: {  	[tilespmem:v34+s13+$0x0] =	vst.idx.msk $0xffff, v4  }
0x143: {  	v36 =	vor.u32 $0x8, v3;
	v4 =	vld.idx.msk [tilespmem:v35+s11+$0x0], $0xffff  }
0x144: {  	v37 =	vor.u32 $0x8, v2;
	_ =	sdelay $0x3  }
0x145: {  	[tilespmem:v36+s13+$0x0] =	vst.idx.msk $0xffff, v4  }
0x146: {  	v38 =	vor.u32 $0x18, v3;
	v4 =	vld.idx.msk [tilespmem:v37+s12+$0x0], $0xffff  }
0x147: {  	v39 =	vor.u32 $0x9, v1;
	_ =	sdelay $0x3  }
0x148: {  	[tilespmem:v38+s13+$0x0] =	vst.idx.msk $0xffff, v4  }
0x149: {  	v40 =	vor.u32 $0x9, v3;
	v4 =	vld.idx.msk [tilespmem:v39+s11+$0x0], $0xffff  }
0x14a: {  	v41 =	vor.u32 $0x9, v2;
	_ =	sdelay $0x3  }
0x14b: {  	[tilespmem:v40+s13+$0x0] =	vst.idx.msk $0xffff, v4  }
0x14c: {  	v42 =	vor.u32 $0x19, v3;
	v4 =	vld.idx.msk [tilespmem:v41+s12+$0x0], $0xffff  }
0x14d: {  	v43 =	vor.u32 $0xA, v1;
	_ =	sdelay $0x3  }
0x14e: {  	[tilespmem:v42+s13+$0x0] =	vst.idx.msk $0xffff, v4  }
0x14f: {  	v44 =	vor.u32 $0xA, v3;
	v4 =	vld.idx.msk [tilespmem:v43+s11+$0x0], $0xffff  }
0x150: {  	v45 =	vor.u32 $0xA, v2;
	_ =	sdelay $0x3  }
0x151: {  	[tilespmem:v44+s13+$0x0] =	vst.idx.msk $0xffff, v4  }
0x152: {  	v46 =	vor.u32 $0x1A, v3;
	v4 =	vld.idx.msk [tilespmem:v45+s12+$0x0], $0xffff  }
0x153: {  	v47 =	vor.u32 $0xB, v1;
	_ =	sdelay $0x3  }
0x154: {  	[tilespmem:v46+s13+$0x0] =	vst.idx.msk $0xffff, v4  }
0x155: {  	v48 =	vor.u32 $0xB, v3;
	v4 =	vld.idx.msk [tilespmem:v47+s11+$0x0], $0xffff  }
0x156: {  	v49 =	vor.u32 $0xB, v2;
	_ =	sdelay $0x3  }
0x157: {  	[tilespmem:v48+s13+$0x0] =	vst.idx.msk $0xffff, v4  }
0x158: {  	v50 =	vor.u32 $0x1B, v3;
	v4 =	vld.idx.msk [tilespmem:v49+s12+$0x0], $0xffff  }
0x159: {  	v51 =	vor.u32 $0xC, v1;
	_ =	sdelay $0x3  }
0x15a: {  	[tilespmem:v50+s13+$0x0] =	vst.idx.msk $0xffff, v4  }
0x15b: {  	v52 =	vor.u32 $0xC, v3;
	v4 =	vld.idx.msk [tilespmem:v51+s11+$0x0], $0xffff  }
0x15c: {  	v53 =	vor.u32 $0xC, v2;
	_ =	sdelay $0x3  }
0x15d: {  	[tilespmem:v52+s13+$0x0] =	vst.idx.msk $0xffff, v4  }
0x15e: {  	v54 =	vor.u32 $0x1C, v3;
	v4 =	vld.idx.msk [tilespmem:v53+s12+$0x0], $0xffff  }
0x15f: {  	v55 =	vor.u32 $0xD, v1;
	_ =	sdelay $0x3  }
0x160: {  	[tilespmem:v54+s13+$0x0] =	vst.idx.msk $0xffff, v4  }
0x161: {  	v56 =	vor.u32 $0xD, v3;
	v4 =	vld.idx.msk [tilespmem:v55+s11+$0x0], $0xffff  }
0x162: {  	v57 =	vor.u32 $0xD, v2;
	_ =	sdelay $0x3  }
0x163: {  	[tilespmem:v56+s13+$0x0] =	vst.idx.msk $0xffff, v4  }
0x164: {  	v58 =	vor.u32 $0x1D, v3;
	v4 =	vld.idx.msk [tilespmem:v57+s12+$0x0], $0xffff  }
0x165: {  	v59 =	vor.u32 $0xE, v1;
	_ =	sdelay $0x3  }
0x166: {  	[tilespmem:v58+s13+$0x0] =	vst.idx.msk $0xffff, v4  }
0x167: {  	v60 =	vor.u32 $0xE, v3;
	v4 =	vld.idx.msk [tilespmem:v59+s11+$0x0], $0xffff  }
0x168: {  	v61 =	vor.u32 $0xE, v2;
	_ =	sdelay $0x3  }
0x169: {  	[tilespmem:v60+s13+$0x0] =	vst.idx.msk $0xffff, v4  }
0x16a: {  	v62 =	vor.u32 $0x1E, v3;
	v4 =	vld.idx.msk [tilespmem:v61+s12+$0x0], $0xffff  }
0x16b: {  	v1 =	vor.u32 $0xF, v1;
	_ =	sdelay $0x3  }
0x16c: {  	[tilespmem:v62+s13+$0x0] =	vst.idx.msk $0xffff, v4  }
0x16d: {  	v63 =	vor.u32 $0xF, v3;
	v1 =	vld.idx.msk [tilespmem:v1+s11+$0x0], $0xffff  }
0x16e: {  	v2 =	vor.u32 $0xF, v2;
	_ =	sdelay $0x3  }
0x16f: {  	[tilespmem:v63+s13+$0x0] =	vst.idx.msk $0xffff, v1  }
0x170: {  	s17 =	simm.s32 $0x10;
	v1 =	vor.u32 $0x1F, v3;
	v2 =	vld.idx.msk [tilespmem:v2+s12+$0x0], $0xffff  }
.LBB2_4:
0x171: {  	_ =	sdelay $0x3  }
0x172: {  	p0 =	sne.s32 s17, $0x610;
	s15 =	sadd.s32 $0x10, s15;
	s16 =	sadd.s32 $0x10, s16;
	[tilespmem:v1+s13+$0x0] =	vst.idx.msk $0xffff, v2  }
0x173: {  	s18 =	smov.u32 s17;
	s17 =	sadd.s32 $0x10, s17;
	v1 =	vld [tilespmem:s15+$0x0];
	_ =	sdelay $0x4  }
0x174: {  	v2 =	vshll.u32 v1, $0x4;
	_ =	sdelay $0x1  }
0x175: {  	v3 =	vld [tilespmem:s16+$0x0];
	_ =	sdelay $0x1  }
0x176: {  	v1 =	vmov s18  }
0x177: {  	v1 =	vshll.u32 v1, $0x5;
	v4 =	vld.idx.msk [tilespmem:v2+s11+$0x0], $0xffff  }
0x178: {  	v1 =	vor.u32 v0, v1  }
0x179: {  	v3 =	vshll.u32 v3, $0x4;
	_ =	sdelay $0x3  }
0x17a: {  	[tilespmem:v1+s13+$0x0] =	vst.idx.msk $0xffff, v4  }
0x17b: {  	v4 =	vld.idx.msk [tilespmem:v3+s12+$0x0], $0xffff  }
0x17c: {  	v5 =	vor.u32 $0x10, v1  }
0x17d: {  	v6 =	vor.u32 $0x1, v2;
	_ =	sdelay $0x3  }
0x17e: {  	[tilespmem:v5+s13+$0x0] =	vst.idx.msk $0xffff, v4  }
0x17f: {  	v4 =	vld.idx.msk [tilespmem:v6+s11+$0x0], $0xffff  }
0x180: {  	v5 =	vor.u32 $0x1, v1  }
0x181: {  	v6 =	vor.u32 $0x1, v3;
	_ =	sdelay $0x3  }
0x182: {  	[tilespmem:v5+s13+$0x0] =	vst.idx.msk $0xffff, v4  }
0x183: {  	v4 =	vld.idx.msk [tilespmem:v6+s12+$0x0], $0xffff  }
0x184: {  	v5 =	vor.u32 $0x11, v1  }
0x185: {  	v6 =	vor.u32 $0x2, v2;
	_ =	sdelay $0x3  }
0x186: {  	[tilespmem:v5+s13+$0x0] =	vst.idx.msk $0xffff, v4  }
0x187: {  	v4 =	vld.idx.msk [tilespmem:v6+s11+$0x0], $0xffff  }
0x188: {  	v5 =	vor.u32 $0x2, v1  }
0x189: {  	v6 =	vor.u32 $0x2, v3;
	_ =	sdelay $0x3  }
0x18a: {  	[tilespmem:v5+s13+$0x0] =	vst.idx.msk $0xffff, v4  }
0x18b: {  	v4 =	vld.idx.msk [tilespmem:v6+s12+$0x0], $0xffff  }
0x18c: {  	v5 =	vor.u32 $0x12, v1  }
0x18d: {  	v6 =	vor.u32 $0x3, v2;
	_ =	sdelay $0x3  }
0x18e: {  	[tilespmem:v5+s13+$0x0] =	vst.idx.msk $0xffff, v4  }
0x18f: {  	v4 =	vld.idx.msk [tilespmem:v6+s11+$0x0], $0xffff  }
0x190: {  	v5 =	vor.u32 $0x3, v1  }
0x191: {  	v6 =	vor.u32 $0x3, v3;
	_ =	sdelay $0x3  }
0x192: {  	[tilespmem:v5+s13+$0x0] =	vst.idx.msk $0xffff, v4  }
0x193: {  	v4 =	vld.idx.msk [tilespmem:v6+s12+$0x0], $0xffff  }
0x194: {  	v5 =	vor.u32 $0x13, v1  }
0x195: {  	v6 =	vor.u32 $0x4, v2;
	_ =	sdelay $0x3  }
0x196: {  	[tilespmem:v5+s13+$0x0] =	vst.idx.msk $0xffff, v4  }
0x197: {  	v4 =	vld.idx.msk [tilespmem:v6+s11+$0x0], $0xffff  }
0x198: {  	v5 =	vor.u32 $0x4, v1  }
0x199: {  	v6 =	vor.u32 $0x4, v3;
	_ =	sdelay $0x3  }
0x19a: {  	[tilespmem:v5+s13+$0x0] =	vst.idx.msk $0xffff, v4  }
0x19b: {  	v4 =	vld.idx.msk [tilespmem:v6+s12+$0x0], $0xffff  }
0x19c: {  	v5 =	vor.u32 $0x14, v1  }
0x19d: {  	v6 =	vor.u32 $0x5, v2;
	_ =	sdelay $0x3  }
0x19e: {  	[tilespmem:v5+s13+$0x0] =	vst.idx.msk $0xffff, v4  }
0x19f: {  	v4 =	vld.idx.msk [tilespmem:v6+s11+$0x0], $0xffff  }
0x1a0: {  	v5 =	vor.u32 $0x5, v1  }
0x1a1: {  	v6 =	vor.u32 $0x5, v3;
	_ =	sdelay $0x3  }
0x1a2: {  	[tilespmem:v5+s13+$0x0] =	vst.idx.msk $0xffff, v4  }
0x1a3: {  	v4 =	vld.idx.msk [tilespmem:v6+s12+$0x0], $0xffff  }
0x1a4: {  	v5 =	vor.u32 $0x15, v1  }
0x1a5: {  	v6 =	vor.u32 $0x6, v2;
	_ =	sdelay $0x3  }
0x1a6: {  	[tilespmem:v5+s13+$0x0] =	vst.idx.msk $0xffff, v4  }
0x1a7: {  	v4 =	vld.idx.msk [tilespmem:v6+s11+$0x0], $0xffff  }
0x1a8: {  	v5 =	vor.u32 $0x6, v1  }
0x1a9: {  	v6 =	vor.u32 $0x6, v3;
	_ =	sdelay $0x3  }
0x1aa: {  	[tilespmem:v5+s13+$0x0] =	vst.idx.msk $0xffff, v4  }
0x1ab: {  	v4 =	vld.idx.msk [tilespmem:v6+s12+$0x0], $0xffff  }
0x1ac: {  	v5 =	vor.u32 $0x16, v1  }
0x1ad: {  	v6 =	vor.u32 $0x7, v2;
	_ =	sdelay $0x3  }
0x1ae: {  	[tilespmem:v5+s13+$0x0] =	vst.idx.msk $0xffff, v4  }
0x1af: {  	v4 =	vld.idx.msk [tilespmem:v6+s11+$0x0], $0xffff  }
0x1b0: {  	v5 =	vor.u32 $0x7, v1  }
0x1b1: {  	v6 =	vor.u32 $0x7, v3;
	_ =	sdelay $0x3  }
0x1b2: {  	[tilespmem:v5+s13+$0x0] =	vst.idx.msk $0xffff, v4  }
0x1b3: {  	v4 =	vld.idx.msk [tilespmem:v6+s12+$0x0], $0xffff  }
0x1b4: {  	v5 =	vor.u32 $0x17, v1  }
0x1b5: {  	v6 =	vor.u32 $0x8, v2;
	_ =	sdelay $0x3  }
0x1b6: {  	[tilespmem:v5+s13+$0x0] =	vst.idx.msk $0xffff, v4  }
0x1b7: {  	v4 =	vld.idx.msk [tilespmem:v6+s11+$0x0], $0xffff  }
0x1b8: {  	v5 =	vor.u32 $0x8, v1  }
0x1b9: {  	v6 =	vor.u32 $0x8, v3;
	_ =	sdelay $0x3  }
0x1ba: {  	[tilespmem:v5+s13+$0x0] =	vst.idx.msk $0xffff, v4  }
0x1bb: {  	v4 =	vld.idx.msk [tilespmem:v6+s12+$0x0], $0xffff  }
0x1bc: {  	v5 =	vor.u32 $0x18, v1  }
0x1bd: {  	v6 =	vor.u32 $0x9, v2;
	_ =	sdelay $0x3  }
0x1be: {  	[tilespmem:v5+s13+$0x0] =	vst.idx.msk $0xffff, v4  }
0x1bf: {  	v4 =	vld.idx.msk [tilespmem:v6+s11+$0x0], $0xffff  }
0x1c0: {  	v5 =	vor.u32 $0x9, v1  }
0x1c1: {  	v6 =	vor.u32 $0x9, v3;
	_ =	sdelay $0x3  }
0x1c2: {  	[tilespmem:v5+s13+$0x0] =	vst.idx.msk $0xffff, v4  }
0x1c3: {  	v4 =	vld.idx.msk [tilespmem:v6+s12+$0x0], $0xffff  }
0x1c4: {  	v5 =	vor.u32 $0x19, v1  }
0x1c5: {  	v6 =	vor.u32 $0xA, v2;
	_ =	sdelay $0x3  }
0x1c6: {  	[tilespmem:v5+s13+$0x0] =	vst.idx.msk $0xffff, v4  }
0x1c7: {  	v4 =	vld.idx.msk [tilespmem:v6+s11+$0x0], $0xffff  }
0x1c8: {  	v5 =	vor.u32 $0xA, v1  }
0x1c9: {  	v6 =	vor.u32 $0xA, v3;
	_ =	sdelay $0x3  }
0x1ca: {  	[tilespmem:v5+s13+$0x0] =	vst.idx.msk $0xffff, v4  }
0x1cb: {  	v4 =	vld.idx.msk [tilespmem:v6+s12+$0x0], $0xffff  }
0x1cc: {  	v5 =	vor.u32 $0x1A, v1  }
0x1cd: {  	v6 =	vor.u32 $0xB, v2;
	_ =	sdelay $0x3  }
0x1ce: {  	[tilespmem:v5+s13+$0x0] =	vst.idx.msk $0xffff, v4  }
0x1cf: {  	v4 =	vld.idx.msk [tilespmem:v6+s11+$0x0], $0xffff  }
0x1d0: {  	v5 =	vor.u32 $0xB, v1  }
0x1d1: {  	v6 =	vor.u32 $0xB, v3;
	_ =	sdelay $0x3  }
0x1d2: {  	[tilespmem:v5+s13+$0x0] =	vst.idx.msk $0xffff, v4  }
0x1d3: {  	v4 =	vld.idx.msk [tilespmem:v6+s12+$0x0], $0xffff  }
0x1d4: {  	v5 =	vor.u32 $0x1B, v1  }
0x1d5: {  	v6 =	vor.u32 $0xC, v2;
	_ =	sdelay $0x3  }
0x1d6: {  	[tilespmem:v5+s13+$0x0] =	vst.idx.msk $0xffff, v4  }
0x1d7: {  	v4 =	vld.idx.msk [tilespmem:v6+s11+$0x0], $0xffff  }
0x1d8: {  	v5 =	vor.u32 $0xC, v1  }
0x1d9: {  	v6 =	vor.u32 $0xC, v3;
	_ =	sdelay $0x3  }
0x1da: {  	[tilespmem:v5+s13+$0x0] =	vst.idx.msk $0xffff, v4  }
0x1db: {  	v4 =	vld.idx.msk [tilespmem:v6+s12+$0x0], $0xffff  }
0x1dc: {  	v5 =	vor.u32 $0x1C, v1  }
0x1dd: {  	v6 =	vor.u32 $0xD, v2;
	_ =	sdelay $0x3  }
0x1de: {  	[tilespmem:v5+s13+$0x0] =	vst.idx.msk $0xffff, v4  }
0x1df: {  	v4 =	vld.idx.msk [tilespmem:v6+s11+$0x0], $0xffff  }
0x1e0: {  	v5 =	vor.u32 $0xD, v1  }
0x1e1: {  	v6 =	vor.u32 $0xD, v3;
	_ =	sdelay $0x3  }
0x1e2: {  	[tilespmem:v5+s13+$0x0] =	vst.idx.msk $0xffff, v4  }
0x1e3: {  	v4 =	vld.idx.msk [tilespmem:v6+s12+$0x0], $0xffff  }
0x1e4: {  	v5 =	vor.u32 $0x1D, v1  }
0x1e5: {  	v6 =	vor.u32 $0xE, v2;
	_ =	sdelay $0x3  }
0x1e6: {  	[tilespmem:v5+s13+$0x0] =	vst.idx.msk $0xffff, v4  }
0x1e7: {  	v4 =	vld.idx.msk [tilespmem:v6+s11+$0x0], $0xffff  }
0x1e8: {  	v5 =	vor.u32 $0xE, v1  }
0x1e9: {  	v6 =	vor.u32 $0xE, v3;
	_ =	sdelay $0x3  }
0x1ea: {  	[tilespmem:v5+s13+$0x0] =	vst.idx.msk $0xffff, v4  }
0x1eb: {  	v4 =	vld.idx.msk [tilespmem:v6+s12+$0x0], $0xffff  }
0x1ec: {  	v5 =	vor.u32 $0x1E, v1  }
0x1ed: {  	v2 =	vor.u32 $0xF, v2;
	_ =	sdelay $0x3  }
0x1ee: {  	[tilespmem:v5+s13+$0x0] =	vst.idx.msk $0xffff, v4  }
0x1ef: {  	v2 =	vld.idx.msk [tilespmem:v2+s11+$0x0], $0xffff  }
0x1f0: {  	v4 =	vor.u32 $0xF, v1  }
0x1f1: {  	v3 =	vor.u32 $0xF, v3;
	_ =	sdelay $0x1  }
.Ltmp1:
0x1f2: {  	(pc) =	sbr.rel @p0 .LBB2_4-.Ltmp1, $4  }
0x1f3: {  	_ = 	snop  }
0x1f4: {  	[tilespmem:v4+s13+$0x0] =	vst.idx.msk $0xffff, v2  }
0x1f5: {  	v2 =	vld.idx.msk [tilespmem:v3+s12+$0x0], $0xffff  }
0x1f6: {  	v1 =	vor.u32 $0x1F, v1  }
0x1f7: {  	_ =	sdelay $0x1  }
0x1f8: {  	s14 =	sadd.s32 $0x1, s14  }
0x1f9: {  	p0 =	sne.s32 s14, s9  }
.Ltmp2:
0x1fa: {  	[tilespmem:v1+s13+$0x0] =	vst.idx.msk $0xffff, v2;
	(pc) =	sbr.rel @p0 .LBB2_1-.Ltmp2, $4  }
0x1fb: {  	[hbm4b:s8+s2] =	stream.linear.scatter [tilespmem:s13], [sflag:$0x1], $0xC400, $0x38;
	[tilespmem:$0xEC80] =	vst v63  }
0x1fc: {  	_ =	swait.ge [sflag:s10], $0xC400  }
0x1fd: {  	[sflag:s10] =	ssyncset.done $0x0  }
0x1fe: {  	[sflag:s10] =	ssyncadd.s32 $0xFFFF3C00  }
0x1ff: {  	_ =	sfence.sel $0x180000  }
0x200: {  	[bflag:$0x0] =	sbarrier.arrive $0xFFFF  }
0x201: {  	p0 =	sne.s32 s1, $0x0;
	_ =	strace $0x90000047  }
0x202: {  	s0 =	sadd.s32 @!p0 $0x100000, s0;
	[bflag:$0x2] =	sbarrier.arrive $0xFFFF  }
0x203: {  	[sflag:s0] =	ssyncadd.tile.s32 @!p0 $0x1;
	_ =	shalt  }
.Lfunc_end2:
_tile_overlayer_lowered:
.L_overlay_start_2:
0x204: {  	(tag) =	ssettag $0x2  }
0x205: {  	s0 =	rddreg [dreg:$0x0];
	s2 =	stileid.u32  }
0x206: {  	s1 =	rddreg [dreg:$0x1];
	p0 =	sne.s32 s2, $0x0  }
0x207: {  	s3 =	rddreg [dreg:$0x2];
	[bflag:$0x3] =	sbarrier.arrive $0xFFFF;
	s2 =	simm.s32 @!p0 $0x1C01  }
0x208: {  	[timem:s3], [sflag:s2] =	dma.local @!p0 [hbm:s0], s1  }
0x209: {  	s0 =	simm.s32 @!p0 $0x1  }
0x20a: {  	_ =	swait.ge @!p0 [sflag:s0], s1  }
0x20b: {  	s1 =	ssub.s32 @!p0 $0x0, s1;
	[sflag:s0] =	ssyncset.done @!p0 $0x0  }
0x20c: {  	[sflag:s0] =	ssyncadd.s32 @!p0 s1  }
0x20d: {  	[bflag:$0x3] =	sbarrier.arrive $0xFFFF  }
0x20e: {  	_ =	shalt  }

</sc_bundles>
